<compile_context>
chip_gen: v7x
topology: tpu7x:2x2x1
jax: 0.10.2.dev20260603
libtpu: 0.0.44.dev20260713+nightly
codegen_flags: <defaults>
</compile_context>

<pallas_src>
import functools

import jax
import jax.numpy as jnp
from jax import lax
from jax.experimental import pallas as pl
from jax.experimental.pallas import tpu as pltpu
from jax.experimental.pallas import tpu_sc as plsc

N = 10000
E = 320000
F_IN = 128
H = 128
C = 64
ALPHA = 1.0

_NC = 2
_NS = 16
_NW = _NC * _NS
_EPW = E // _NW
_CH = 80
_NCH = _EPW // _CH
_RPT = 640
_ZR = 128

_NP = 10240

_mesh = plsc.VectorSubcoreMesh(core_axis_name="c", subcore_axis_name="s")


@functools.partial(
    pl.kernel,
    out_type=jax.ShapeDtypeStruct((_NC, _NP), jnp.float32),
    mesh=_mesh,
    scratch_types=[
        pltpu.VMEM((_CH,), jnp.int32),
        pltpu.VMEM((_CH,), jnp.float32),
        pltpu.VMEM((640,), jnp.float32),
        pltpu.VMEM_SHARED((_NP,), jnp.float32),
    ],
)
def _sc_degree(dst_hbm, out_hbm, dst_v, ones_v, zbuf, deg_sh):
    cid = lax.axis_index("c")
    sid = lax.axis_index("s")
    wid = sid * _NC + cid

    def _zvec(i, _):
        zbuf[pl.ds(i * 16, 16)] = jnp.zeros((16,), jnp.float32)
        return 0
    lax.fori_loop(0, 40, _zvec, 0)

    def _ovec(i, _):
        ones_v[pl.ds(i * 16, 16)] = jnp.ones((16,), jnp.float32)
        return 0
    lax.fori_loop(0, _CH // 16, _ovec, 0)

    pltpu.sync_copy(zbuf, deg_sh.at[pl.ds(sid * 640, 640)])

    plsc.subcore_barrier()

    base = wid * _EPW

    def _chunk(ch, _):
        pltpu.sync_copy(dst_hbm.at[pl.ds(base + ch * _CH, _CH)], dst_v)
        pltpu.sync_copy(ones_v, deg_sh.at[dst_v], add=True)
        return 0
    lax.fori_loop(0, _NCH, _chunk, 0)

    plsc.subcore_barrier()

    pltpu.sync_copy(deg_sh.at[pl.ds(sid * 640, 640)],
                    out_hbm.at[cid, pl.ds(sid * 640, 640)])


@functools.partial(
    pl.kernel,
    out_type=jax.ShapeDtypeStruct((_NC, _NP, H), jnp.float32),
    mesh=_mesh,
    scratch_types=[
        pltpu.VMEM((_CH,), jnp.int32),
        pltpu.VMEM((_CH,), jnp.int32),
        pltpu.VMEM((_CH, H), jnp.float32),
        pltpu.VMEM((_ZR, H), jnp.float32),
        pltpu.VMEM_SHARED((_NP, H), jnp.float32),
        pltpu.SemaphoreType.DMA,
    ],
)
def _sc_scatter(hp_hbm, src_hbm, dst_hbm, out_hbm,
                src_v, dst_v, rows_v, zbuf, agg_sh, sem):
    cid = lax.axis_index("c")
    sid = lax.axis_index("s")
    wid = sid * _NC + cid

    def _zvec(i, _):
        zbuf[i // 8, pl.ds((i % 8) * 16, 16)] = jnp.zeros((16,), jnp.float32)
        return 0
    lax.fori_loop(0, _ZR * (H // 16), _zvec, 0)

    def _zchunk(k, _):
        pltpu.sync_copy(zbuf, agg_sh.at[pl.ds(sid * _RPT + k * _ZR, _ZR)])
        return 0
    lax.fori_loop(0, _RPT // _ZR, _zchunk, 0)

    plsc.subcore_barrier()

    base = wid * _EPW

    def _chunk(ch, _):
        off = base + ch * _CH
        pltpu.sync_copy(src_hbm.at[pl.ds(off, _CH)], src_v)
        pltpu.sync_copy(dst_hbm.at[pl.ds(off, _CH)], dst_v)
        pltpu.async_copy(hp_hbm.at[src_v], rows_v, sem).wait()
        pltpu.sync_copy(rows_v, agg_sh.at[dst_v], add=True)
        return 0
    lax.fori_loop(0, _NCH, _chunk, 0)

    plsc.subcore_barrier()

    def _wchunk(k, _):
        r0 = sid * _RPT + k * _ZR
        pltpu.sync_copy(agg_sh.at[pl.ds(r0, _ZR)],
                        out_hbm.at[cid, pl.ds(r0, _ZR)])
        return 0
    lax.fori_loop(0, _RPT // _ZR, _wchunk, 0)


_BN = 1000
_GRID = N // _BN


def _tc_in_body(feat_ref, w_ref, b_ref, d0_ref, d1_ref,
                h0_ref, h0p_ref, dis_ref):
    x = feat_ref[...]
    h0 = jnp.maximum(
        jnp.dot(x, w_ref[...], preferred_element_type=jnp.float32)
        + b_ref[...], 0.0)
    s = d0_ref[...] + d1_ref[...]
    dis = lax.rsqrt(jnp.maximum(s, 1.0))
    h0_ref[...] = h0
    h0p_ref[...] = h0 * dis
    dis_ref[...] = dis


def _tc_in(features, w_in, b_in, d0, d1):
    return pl.pallas_call(
        _tc_in_body,
        grid=(_GRID,),
        in_specs=[
            pl.BlockSpec((_BN, F_IN), lambda i: (i, 0)),
            pl.BlockSpec((F_IN, H), lambda i: (0, 0)),
            pl.BlockSpec((1, H), lambda i: (0, 0)),
            pl.BlockSpec((_BN, 1), lambda i: (i, 0)),
            pl.BlockSpec((_BN, 1), lambda i: (i, 0)),
        ],
        out_specs=[
            pl.BlockSpec((_BN, H), lambda i: (i, 0)),
            pl.BlockSpec((_BN, H), lambda i: (i, 0)),
            pl.BlockSpec((_BN, 1), lambda i: (i, 0)),
        ],
        out_shape=[
            jax.ShapeDtypeStruct((N, H), jnp.float32),
            jax.ShapeDtypeStruct((N, H), jnp.float32),
            jax.ShapeDtypeStruct((N, 1), jnp.float32),
        ],
    )(features, w_in, b_in, d0, d1)


def _tc_layer_body(raw_ref, dis_ref, h0_ref, w_ref, hp_ref):
    dis = dis_ref[...]
    t = (raw_ref[0] + raw_ref[1]) * dis + ALPHA * h0_ref[...]
    h = jnp.maximum(
        jnp.dot(t, w_ref[...], preferred_element_type=jnp.float32), 0.0)
    hp_ref[...] = h * dis


def _tc_layer(raw, dis, h0, w):
    return pl.pallas_call(
        _tc_layer_body,
        grid=(_GRID,),
        in_specs=[
            pl.BlockSpec((_NC, _BN, H), lambda i: (0, i, 0)),
            pl.BlockSpec((_BN, 1), lambda i: (i, 0)),
            pl.BlockSpec((_BN, H), lambda i: (i, 0)),
            pl.BlockSpec((H, H), lambda i: (0, 0)),
        ],
        out_specs=pl.BlockSpec((_BN, H), lambda i: (i, 0)),
        out_shape=jax.ShapeDtypeStruct((N, H), jnp.float32),
    )(raw, dis, h0, w)


def _tc_out_body(raw_ref, dis_ref, h0_ref, w_ref, wo_ref, bo_ref, out_ref):
    t = (raw_ref[0] + raw_ref[1]) * dis_ref[...] + ALPHA * h0_ref[...]
    h = jnp.maximum(
        jnp.dot(t, w_ref[...], preferred_element_type=jnp.float32), 0.0)
    out_ref[...] = (
        jnp.dot(h, wo_ref[...], preferred_element_type=jnp.float32)
        + bo_ref[...])


def _tc_out(raw, dis, h0, w, w_out, b_out):
    return pl.pallas_call(
        _tc_out_body,
        grid=(_GRID,),
        in_specs=[
            pl.BlockSpec((_NC, _BN, H), lambda i: (0, i, 0)),
            pl.BlockSpec((_BN, 1), lambda i: (i, 0)),
            pl.BlockSpec((_BN, H), lambda i: (i, 0)),
            pl.BlockSpec((H, H), lambda i: (0, 0)),
            pl.BlockSpec((H, C), lambda i: (0, 0)),
            pl.BlockSpec((1, C), lambda i: (0, 0)),
        ],
        out_specs=pl.BlockSpec((_BN, C), lambda i: (i, 0)),
        out_shape=jax.ShapeDtypeStruct((N, C), jnp.float32),
    )(raw, dis, h0, w, w_out, b_out)


def kernel(graph, features, W_in, b_in, W1, W2, W_out, b_out):
    src = graph[0]
    dst = graph[1]
    deg_p = _sc_degree(dst)
    d0 = deg_p[0, :N].reshape(N, 1)
    d1 = deg_p[1, :N].reshape(N, 1)
    h0, h0p, dis = _tc_in(features, W_in, b_in.reshape(1, H), d0, d1)
    raw1 = _sc_scatter(h0p, src, dst)
    h1p = _tc_layer(raw1, dis, h0, W1)
    raw2 = _sc_scatter(h1p, src, dst)
    return _tc_out(raw2, dis, h0, W2, W_out, b_out.reshape(1, C))

# --- scband reference (transcript-rebuilt; emitter-appended) ---
"""Pipeline reference for scband-vgcnlayer-net-88673894793938 (READ-ONLY COPY).

The authoritative reference and input builder live on the scoring server;
editing this copy changes nothing except your own understanding.
"""

import jax, jax.numpy as jnp
import numpy as np

N = 10000
E = 320000
F_IN = 128
H = 128
C = 64
ALPHA = 1.0


def setup_inputs(seed: int = 0) -> dict:
    key = jax.random.key(seed)
    ks = jax.random.split(key, 9)
    features = jax.random.normal(ks[0], (N, F_IN), dtype=jnp.float32)
    graph = jax.random.randint(ks[1], (2, E), 0, N, dtype=jnp.int32)
    W_in = jax.random.normal(ks[2], (F_IN, H), dtype=jnp.float32) / np.sqrt(F_IN)
    b_in = jnp.zeros((H,), dtype=jnp.float32)
    W1 = jax.random.normal(ks[3], (H, H), dtype=jnp.float32) / np.sqrt(H)
    W2 = jax.random.normal(ks[4], (H, H), dtype=jnp.float32) / np.sqrt(H)
    W_out = jax.random.normal(ks[5], (H, C), dtype=jnp.float32) / np.sqrt(H)
    b_out = jnp.zeros((C,), dtype=jnp.float32)
    return {"graph": graph, "features": features, "W_in": W_in, "b_in": b_in,
            "W1": W1, "W2": W2, "W_out": W_out, "b_out": b_out}


def reference(graph, features, W_in, b_in, W1, W2, W_out, b_out):
    src = graph[0]
    dst = graph[1]
    # symmetric degree normalization D^{-1/2} A D^{-1/2}
    deg = jnp.zeros((N,), jnp.float32).at[dst].add(1.0)
    deg = jnp.maximum(deg, 1.0)
    dis = jax.lax.rsqrt(deg)
    norm = dis[src] * dis[dst]
    # inLayer: MLP with bias + relu (dropout=0)
    h0 = jax.nn.relu(features @ W_in + b_in)
    h = h0
    # VGCN layers: propagate, add alpha * initial features, linear (bias=False), relu
    for W in (W1, W2):
        msg = h[src] * norm[:, None]
        agg = jnp.zeros((N, H), jnp.float32).at[dst].add(msg)
        h = jax.nn.relu((agg + ALPHA * h0) @ W)
    # outLayer: MLP with bias, no activation
    return h @ W_out + b_out

if __name__ == "__main__":
    import jax
    _d = setup_inputs()
    print(jax.jit(kernel)(*tuple(_d.values())))

</pallas_src>

<mosaic_0001>
#map = affine_map<(d0, d1) -> (0, 0)>
#map1 = affine_map<(d0, d1) -> (0)>
#map2 = affine_map<(d0, d1) -> (0, 0, 0)>
module attributes {stable_mosaic.version = 14 : i64} {
  func.func @_sc_scatter(%arg0: i32, %arg1: i32, %arg2: memref<10000x128xf32, #tpu.memory_space<hbm>>, %arg3: memref<320000xi32, #tpu.memory_space<hbm>>, %arg4: memref<320000xi32, #tpu.memory_space<hbm>>, %arg5: memref<2x10240x128xf32, #tpu.memory_space<hbm>>, %arg6: memref<80xi32, #tpu.memory_space<vmem>>, %arg7: memref<80xi32, #tpu.memory_space<vmem>>, %arg8: memref<80x128xf32, #tpu.memory_space<vmem>>, %arg9: memref<128x128xf32, #tpu.memory_space<vmem>>, %arg10: memref<10240x128xf32, #tpu.memory_space<vmem_shared>>, %arg11: memref<!tpu.dma_semaphore, #tpu.memory_space<semaphore_mem>>) attributes {dimension_semantics = [#tpu.dimension_semantics<core_parallel>, #tpu.dimension_semantics<subcore_parallel>], iteration_bounds = array<i64: 2, 16>, scalar_prefetch = 0 : i64, scratch_operands = 6 : i64, tpu.core_type = #tpu.core_type<sc_vector_subcore>, window_params = [{transform_indices = #map}, {transform_indices = #map1}, {transform_indices = #map1}, {transform_indices = #map2}]} {
    %mul3A = arith.constant 2 : i32
    %mul3A_0 = arith.muli %arg1, %mul3A : i32
    %add3A = arith.addi %mul3A_0, %arg0 : i32
    %scan3A = arith.constant 0 : i32
    %scan3A_1 = arith.constant 0 : i32
    %scan3A_2 = arith.constant 1024 : i32
    %scan3A_3 = arith.addi %scan3A_1, %scan3A_2 : i32
    %scan3A_4 = arith.constant 1 : i32
    %scan3A_5 = scf.for %scan3A_31 = %scan3A_1 to %scan3A_3 step %scan3A_4 iter_args(%scan3A_32 = %scan3A) -> (i32)  : i32 {
      %broadcast_in_dim3A = arith.constant 0.000000e+00 : f32
      %broadcast_in_dim3A_33 = vector.broadcast %broadcast_in_dim3A : f32 to vector<16xf32>
      %jit3A = arith.constant 8 : i32
      %div3A = arith.divsi %scan3A_31, %jit3A : i32
      %sign3A = arith.constant 0 : i32
      %sign3A_34 = arith.cmpi sgt, %scan3A_31, %sign3A : i32
      %sign3A_35 = arith.extui %sign3A_34 : i1 to i32
      %sign3A_36 = arith.constant 0 : i32
      %sign3A_37 = arith.cmpi slt, %scan3A_31, %sign3A_36 : i32
      %sign3A_38 = arith.extui %sign3A_37 : i1 to i32
      %sign3A_39 = arith.subi %sign3A_35, %sign3A_38 : i32
      %sign3A_40 = arith.constant 0 : i32
      %sign3A_41 = arith.cmpi sgt, %jit3A, %sign3A_40 : i32
      %sign3A_42 = arith.extui %sign3A_41 : i1 to i32
      %sign3A_43 = arith.constant 0 : i32
      %sign3A_44 = arith.cmpi slt, %jit3A, %sign3A_43 : i32
      %sign3A_45 = arith.extui %sign3A_44 : i1 to i32
      %sign3A_46 = arith.subi %sign3A_42, %sign3A_45 : i32
      %ne3A = arith.cmpi ne, %sign3A_39, %sign3A_46 : i32
      %rem3A = arith.remsi %scan3A_31, %jit3A : i32
      %ne3A_47 = arith.constant 0 : i32
      %ne3A_48 = arith.cmpi ne, %rem3A, %ne3A_47 : i32
      %and3A = arith.andi %ne3A, %ne3A_48 : i1
      %sub3A = arith.constant 1 : i32
      %sub3A_49 = arith.subi %div3A, %sub3A : i32
      %select_n3A = arith.select %and3A, %sub3A_49, %div3A : i32
      %jit3A_50 = arith.constant 8 : i32
      %eq3A = arith.constant 0 : i32
      %eq3A_51 = arith.cmpi eq, %jit3A_50, %eq3A : i32
      %jit3A_52 = arith.constant 1 : i32
      %select_n3A_53 = arith.select %eq3A_51, %jit3A_52, %jit3A_50 : i32
      %rem3A_54 = arith.remsi %scan3A_31, %select_n3A_53 : i32
      %ne3A_55 = arith.constant 0 : i32
      %ne3A_56 = arith.cmpi ne, %rem3A_54, %ne3A_55 : i32
      %lt3A = arith.constant 0 : i32
      %lt3A_57 = arith.cmpi slt, %rem3A_54, %lt3A : i32
      %lt3A_58 = arith.constant 0 : i32
      %lt3A_59 = arith.cmpi slt, %select_n3A_53, %lt3A_58 : i32
      %ne3A_60 = arith.xori %lt3A_57, %lt3A_59 : i1
      %and3A_61 = arith.andi %ne3A_60, %ne3A_56 : i1
      %add3A_62 = arith.addi %rem3A_54, %select_n3A_53 : i32
      %select_n3A_63 = arith.select %and3A_61, %add3A_62, %rem3A_54 : i32
      %mul3A_64 = arith.constant 16 : i32
      %mul3A_65 = arith.muli %select_n3A_63, %mul3A_64 : i32
      %swap3A = arith.index_cast %select_n3A : i32 to index
      %swap3A_66 = arith.index_cast %mul3A_65 : i32 to index
      %swap3A_67 = tpu.vector_load %arg9[%swap3A, %swap3A_66] {strides = array<i32>} : memref<128x128xf32, #tpu.memory_space<vmem>>, vector<1x16xf32>,
      %swap3A_68 = vector.shape_cast %swap3A_67 : vector<1x16xf32> to vector<16xf32>
      %swap3A_69 = vector.shape_cast %broadcast_in_dim3A_33 : vector<16xf32> to vector<1x16xf32>
      tpu.vector_store %arg9[%swap3A, %swap3A_66], %swap3A_69 {strides = array<i32>} : memref<128x128xf32, #tpu.memory_space<vmem>>, vector<1x16xf32>,
      %scan3A_70 = arith.constant 0 : i32
      scf.yield %scan3A_70 : i32
    }
    %scan3A_6 = arith.constant 1024 : i32
    %scan3A_7 = arith.constant 0 : i32
    %scan3A_8 = arith.constant 0 : i32
    %scan3A_9 = arith.constant 5 : i32
    %scan3A_10 = arith.addi %scan3A_8, %scan3A_9 : i32
    %scan3A_11 = arith.constant 1 : i32
    %scan3A_12 = scf.for %scan3A_31 = %scan3A_8 to %scan3A_10 step %scan3A_11 iter_args(%scan3A_32 = %scan3A_7) -> (i32)  : i32 {
      %mul3A_33 = arith.constant 640 : i32
      %mul3A_34 = arith.muli %arg1, %mul3A_33 : i32
      %mul3A_35 = arith.constant 128 : i32
      %mul3A_36 = arith.muli %scan3A_31, %mul3A_35 : i32
      %add3A_37 = arith.addi %mul3A_34, %mul3A_36 : i32
      "tpu.region"() ({
        %run_scoped3A = tpu.sem_alloc : memref<!tpu.dma_semaphore, #tpu.memory_space<semaphore_mem>>
        %dma_start3A = arith.constant 0 : i32
        %dma_start3A_39 = tpu.memref_slice %arg10[%add3A_37, %dma_start3A] : memref<10240x128xf32, #tpu.memory_space<vmem_shared>> -> memref<128x128xf32, #tpu.memory_space<vmem_shared>>
        %dma_start3A_40 = arith.constant 0 : i32
        %dma_start3A_41 = tpu.memref_slice %arg10[%add3A_37, %dma_start3A_40] : memref<10240x128xf32, #tpu.memory_space<vmem_shared>> -> memref<128x128xf32, #tpu.memory_space<vmem_shared>>
        tpu.enqueue_dma source(%arg9 : memref<128x128xf32, #tpu.memory_space<vmem>>) target(%dma_start3A_41 : memref<128x128xf32, #tpu.memory_space<vmem_shared>>) target_semaphore(%run_scoped3A : memref<!tpu.dma_semaphore, #tpu.memory_space<semaphore_mem>>)
        %dma_wait3A = arith.constant 0 : i32
        %dma_wait3A_42 = tpu.memref_slice %arg10[%add3A_37, %dma_wait3A] : memref<10240x128xf32, #tpu.memory_space<vmem_shared>> -> memref<128x128xf32, #tpu.memory_space<vmem_shared>>
        %dma_wait3A_43 = arith.constant 0 : i32
        %dma_wait3A_44 = tpu.memref_slice %arg10[%add3A_37, %dma_wait3A_43] : memref<10240x128xf32, #tpu.memory_space<vmem_shared>> -> memref<128x128xf32, #tpu.memory_space<vmem_shared>>
        tpu.wait_dma2 semaphore(%run_scoped3A : memref<!tpu.dma_semaphore, #tpu.memory_space<semaphore_mem>>) src(%arg9 : memref<128x128xf32, #tpu.memory_space<vmem>>) dst(%dma_wait3A_44 : memref<128x128xf32, #tpu.memory_space<vmem_shared>>)
        tpu.yield
      }) : () -> ()
      %scan3A_38 = arith.constant 0 : i32
      scf.yield %scan3A_38 : i32
    }
    %scan3A_13 = arith.constant 5 : i32
    %barrier3A = arith.constant 0 : index
    tpu.barrier barrier_id(%barrier3A)
    %mul3A_14 = arith.constant 10000 : i32
    %mul3A_15 = arith.muli %add3A, %mul3A_14 : i32
    %scan3A_16 = arith.constant 0 : i32
    %scan3A_17 = arith.constant 0 : i32
    %scan3A_18 = arith.constant 125 : i32
    %scan3A_19 = arith.addi %scan3A_17, %scan3A_18 : i32
    %scan3A_20 = arith.constant 1 : i32
    %scan3A_21 = scf.for %scan3A_31 = %scan3A_17 to %scan3A_19 step %scan3A_20 iter_args(%scan3A_32 = %scan3A_16) -> (i32)  : i32 {
      %mul3A_33 = arith.constant 80 : i32
      %mul3A_34 = arith.muli %scan3A_31, %mul3A_33 : i32
      %add3A_35 = arith.addi %mul3A_15, %mul3A_34 : i32
      "tpu.region"() ({
        %run_scoped3A = tpu.sem_alloc : memref<!tpu.dma_semaphore, #tpu.memory_space<semaphore_mem>>
        %dma_start3A_41 = tpu.memref_slice %arg3[%add3A_35] : memref<320000xi32, #tpu.memory_space<hbm>> -> memref<80xi32, #tpu.memory_space<hbm>>
        %dma_start3A_42 = tpu.memref_slice %arg3[%add3A_35] : memref<320000xi32, #tpu.memory_space<hbm>> -> memref<80xi32, #tpu.memory_space<hbm>>
        tpu.enqueue_dma source(%dma_start3A_42 : memref<80xi32, #tpu.memory_space<hbm>>) target(%arg6 : memref<80xi32, #tpu.memory_space<vmem>>) target_semaphore(%run_scoped3A : memref<!tpu.dma_semaphore, #tpu.memory_space<semaphore_mem>>)
        %dma_wait3A_43 = tpu.memref_slice %arg3[%add3A_35] : memref<320000xi32, #tpu.memory_space<hbm>> -> memref<80xi32, #tpu.memory_space<hbm>>
        %dma_wait3A_44 = tpu.memref_slice %arg3[%add3A_35] : memref<320000xi32, #tpu.memory_space<hbm>> -> memref<80xi32, #tpu.memory_space<hbm>>
        tpu.wait_dma2 semaphore(%run_scoped3A : memref<!tpu.dma_semaphore, #tpu.memory_space<semaphore_mem>>) src(%dma_wait3A_44 : memref<80xi32, #tpu.memory_space<hbm>>) dst(%arg6 : memref<80xi32, #tpu.memory_space<vmem>>)
        tpu.yield
      }) : () -> ()
      "tpu.region"() ({
        %run_scoped3A = tpu.sem_alloc : memref<!tpu.dma_semaphore, #tpu.memory_space<semaphore_mem>>
        %dma_start3A_41 = tpu.memref_slice %arg4[%add3A_35] : memref<320000xi32, #tpu.memory_space<hbm>> -> memref<80xi32, #tpu.memory_space<hbm>>
        %dma_start3A_42 = tpu.memref_slice %arg4[%add3A_35] : memref<320000xi32, #tpu.memory_space<hbm>> -> memref<80xi32, #tpu.memory_space<hbm>>
        tpu.enqueue_dma source(%dma_start3A_42 : memref<80xi32, #tpu.memory_space<hbm>>) target(%arg7 : memref<80xi32, #tpu.memory_space<vmem>>) target_semaphore(%run_scoped3A : memref<!tpu.dma_semaphore, #tpu.memory_space<semaphore_mem>>)
        %dma_wait3A_43 = tpu.memref_slice %arg4[%add3A_35] : memref<320000xi32, #tpu.memory_space<hbm>> -> memref<80xi32, #tpu.memory_space<hbm>>
        %dma_wait3A_44 = tpu.memref_slice %arg4[%add3A_35] : memref<320000xi32, #tpu.memory_space<hbm>> -> memref<80xi32, #tpu.memory_space<hbm>>
        tpu.wait_dma2 semaphore(%run_scoped3A : memref<!tpu.dma_semaphore, #tpu.memory_space<semaphore_mem>>) src(%dma_wait3A_44 : memref<80xi32, #tpu.memory_space<hbm>>) dst(%arg7 : memref<80xi32, #tpu.memory_space<vmem>>)
        tpu.yield
      }) : () -> ()
      %dma_start3A = arith.constant 0 : i32
      %dma_start3A_36 = arith.constant 0 : i32
      %dma_start3A_37 = tpu.memref_slice %arg2[%dma_start3A, %dma_start3A_36] : memref<10000x128xf32, #tpu.memory_space<hbm>> -> memref<10000x128xf32, #tpu.memory_space<hbm>>
      tpu.enqueue_indirect_dma source(%dma_start3A_37 : memref<10000x128xf32, #tpu.memory_space<hbm>>) target(%arg8 : memref<80x128xf32, #tpu.memory_space<vmem>>) offsets(%arg6 : memref<80xi32, #tpu.memory_space<vmem>>) semaphore(%arg11 : memref<!tpu.dma_semaphore, #tpu.memory_space<semaphore_mem>>)
      %dma_wait3A = arith.constant 0 : i32
      %dma_wait3A_38 = arith.constant 0 : i32
      %dma_wait3A_39 = tpu.memref_slice %arg2[%dma_wait3A, %dma_wait3A_38] : memref<10000x128xf32, #tpu.memory_space<hbm>> -> memref<10000x128xf32, #tpu.memory_space<hbm>>
      tpu.wait_indirect_dma semaphore(%arg11 : memref<!tpu.dma_semaphore, #tpu.memory_space<semaphore_mem>>) src(%dma_wait3A_39 : memref<10000x128xf32, #tpu.memory_space<hbm>>) dst(%arg8 : memref<80x128xf32, #tpu.memory_space<vmem>>)
      "tpu.region"() ({
        %run_scoped3A = tpu.sem_alloc : memref<!tpu.dma_semaphore, #tpu.memory_space<semaphore_mem>>
        %dma_start3A_41 = arith.constant 0 : i32
        %dma_start3A_42 = arith.constant 0 : i32
        %dma_start3A_43 = tpu.memref_slice %arg10[%dma_start3A_41, %dma_start3A_42] : memref<10240x128xf32, #tpu.memory_space<vmem_shared>> -> memref<10240x128xf32, #tpu.memory_space<vmem_shared>>
        tpu.enqueue_indirect_dma source(%arg8 : memref<80x128xf32, #tpu.memory_space<vmem>>) target(%dma_start3A_43 : memref<10240x128xf32, #tpu.memory_space<vmem_shared>>) offsets(%arg7 : memref<80xi32, #tpu.memory_space<vmem>>) semaphore(%run_scoped3A : memref<!tpu.dma_semaphore, #tpu.memory_space<semaphore_mem>>) {add = true}
        %dma_wait3A_44 = arith.constant 0 : i32
        %dma_wait3A_45 = arith.constant 0 : i32
        %dma_wait3A_46 = tpu.memref_slice %arg10[%dma_wait3A_44, %dma_wait3A_45] : memref<10240x128xf32, #tpu.memory_space<vmem_shared>> -> memref<10240x128xf32, #tpu.memory_space<vmem_shared>>
        tpu.wait_indirect_dma semaphore(%run_scoped3A : memref<!tpu.dma_semaphore, #tpu.memory_space<semaphore_mem>>) src(%arg8 : memref<80x128xf32, #tpu.memory_space<vmem>>) dst(%dma_wait3A_46 : memref<10240x128xf32, #tpu.memory_space<vmem_shared>>)
        tpu.yield
      }) : () -> ()
      %scan3A_40 = arith.constant 0 : i32
      scf.yield %scan3A_40 : i32
    }
    %scan3A_22 = arith.constant 125 : i32
    %barrier3A_23 = arith.constant 0 : index
    tpu.barrier barrier_id(%barrier3A_23)
    %scan3A_24 = arith.constant 0 : i32
    %scan3A_25 = arith.constant 0 : i32
    %scan3A_26 = arith.constant 5 : i32
    %scan3A_27 = arith.addi %scan3A_25, %scan3A_26 : i32
    %scan3A_28 = arith.constant 1 : i32
    %scan3A_29 = scf.for %scan3A_31 = %scan3A_25 to %scan3A_27 step %scan3A_28 iter_args(%scan3A_32 = %scan3A_24) -> (i32)  : i32 {
      %mul3A_33 = arith.constant 640 : i32
      %mul3A_34 = arith.muli %arg1, %mul3A_33 : i32
      %mul3A_35 = arith.constant 128 : i32
      %mul3A_36 = arith.muli %scan3A_31, %mul3A_35 : i32
      %add3A_37 = arith.addi %mul3A_34, %mul3A_36 : i32
      "tpu.region"() ({
        %run_scoped3A = tpu.sem_alloc : memref<!tpu.dma_semaphore, #tpu.memory_space<semaphore_mem>>
        %dma_start3A = arith.constant 0 : i32
        %dma_start3A_39 = tpu.memref_slice %arg5[%arg0, %add3A_37, %dma_start3A] : memref<2x10240x128xf32, #tpu.memory_space<hbm>> -> memref<1x128x128xf32, #tpu.memory_space<hbm>>
        %dma_start3A_40 = tpu.memref_squeeze %dma_start3A_39 : memref<1x128x128xf32, #tpu.memory_space<hbm>> -> memref<128x128xf32, #tpu.memory_space<hbm>>
        %dma_start3A_41 = arith.constant 0 : i32
        %dma_start3A_42 = tpu.memref_slice %arg10[%add3A_37, %dma_start3A_41] : memref<10240x128xf32, #tpu.memory_space<vmem_shared>> -> memref<128x128xf32, #tpu.memory_space<vmem_shared>>
        tpu.enqueue_dma source(%dma_start3A_42 : memref<128x128xf32, #tpu.memory_space<vmem_shared>>) target(%dma_start3A_40 : memref<128x128xf32, #tpu.memory_space<hbm>>) target_semaphore(%run_scoped3A : memref<!tpu.dma_semaphore, #tpu.memory_space<semaphore_mem>>)
        %dma_wait3A = arith.constant 0 : i32
        %dma_wait3A_43 = tpu.memref_slice %arg5[%arg0, %add3A_37, %dma_wait3A] : memref<2x10240x128xf32, #tpu.memory_space<hbm>> -> memref<1x128x128xf32, #tpu.memory_space<hbm>>
        %dma_wait3A_44 = tpu.memref_squeeze %dma_wait3A_43 : memref<1x128x128xf32, #tpu.memory_space<hbm>> -> memref<128x128xf32, #tpu.memory_space<hbm>>
        %dma_wait3A_45 = arith.constant 0 : i32
        %dma_wait3A_46 = tpu.memref_slice %arg10[%add3A_37, %dma_wait3A_45] : memref<10240x128xf32, #tpu.memory_space<vmem_shared>> -> memref<128x128xf32, #tpu.memory_space<vmem_shared>>
        tpu.wait_dma2 semaphore(%run_scoped3A : memref<!tpu.dma_semaphore, #tpu.memory_space<semaphore_mem>>) src(%dma_wait3A_46 : memref<128x128xf32, #tpu.memory_space<vmem_shared>>) dst(%dma_wait3A_44 : memref<128x128xf32, #tpu.memory_space<hbm>>)
        tpu.yield
      }) : () -> ()
      %scan3A_38 = arith.constant 0 : i32
      scf.yield %scan3A_38 : i32
    }
    %scan3A_30 = arith.constant 5 : i32
    return
  }
}

#map = affine_map<(d0, d1) -> (0)>
#map1 = affine_map<(d0, d1) -> (0, 0)>
module attributes {stable_mosaic.version = 14 : i64} {
  func.func @_sc_degree(%arg0: i32, %arg1: i32, %arg2: memref<320000xi32, #tpu.memory_space<hbm>>, %arg3: memref<2x10240xf32, #tpu.memory_space<hbm>>, %arg4: memref<80xi32, #tpu.memory_space<vmem>>, %arg5: memref<80xf32, #tpu.memory_space<vmem>>, %arg6: memref<640xf32, #tpu.memory_space<vmem>>, %arg7: memref<10240xf32, #tpu.memory_space<vmem_shared>>) attributes {dimension_semantics = [#tpu.dimension_semantics<core_parallel>, #tpu.dimension_semantics<subcore_parallel>], iteration_bounds = array<i64: 2, 16>, scalar_prefetch = 0 : i64, scratch_operands = 4 : i64, tpu.core_type = #tpu.core_type<sc_vector_subcore>, window_params = [{transform_indices = #map}, {transform_indices = #map1}]} {
    %mul3A = arith.constant 2 : i32
    %mul3A_0 = arith.muli %arg1, %mul3A : i32
    %add3A = arith.addi %mul3A_0, %arg0 : i32
    %scan3A = arith.constant 0 : i32
    %scan3A_1 = arith.constant 0 : i32
    %scan3A_2 = arith.constant 40 : i32
    %scan3A_3 = arith.addi %scan3A_1, %scan3A_2 : i32
    %scan3A_4 = arith.constant 1 : i32
    %scan3A_5 = scf.for %scan3A_30 = %scan3A_1 to %scan3A_3 step %scan3A_4 iter_args(%scan3A_31 = %scan3A) -> (i32)  : i32 {
      %broadcast_in_dim3A = arith.constant 0.000000e+00 : f32
      %broadcast_in_dim3A_32 = vector.broadcast %broadcast_in_dim3A : f32 to vector<16xf32>
      %mul3A_33 = arith.constant 16 : i32
      %mul3A_34 = arith.muli %scan3A_30, %mul3A_33 : i32
      %swap3A = arith.index_cast %mul3A_34 : i32 to index
      %swap3A_35 = tpu.vector_load %arg6[%swap3A] {strides = array<i32>} : memref<640xf32, #tpu.memory_space<vmem>>, vector<16xf32>,
      %swap3A_36 = vector.shape_cast %swap3A_35 : vector<16xf32> to vector<16xf32>
      %swap3A_37 = vector.shape_cast %broadcast_in_dim3A_32 : vector<16xf32> to vector<16xf32>
      tpu.vector_store %arg6[%swap3A], %swap3A_37 {strides = array<i32>} : memref<640xf32, #tpu.memory_space<vmem>>, vector<16xf32>,
      %scan3A_38 = arith.constant 0 : i32
      scf.yield %scan3A_38 : i32
    }
    %scan3A_6 = arith.constant 40 : i32
    %scan3A_7 = arith.constant 0 : i32
    %scan3A_8 = arith.constant 0 : i32
    %scan3A_9 = arith.constant 5 : i32
    %scan3A_10 = arith.addi %scan3A_8, %scan3A_9 : i32
    %scan3A_11 = arith.constant 1 : i32
    %scan3A_12 = scf.for %scan3A_30 = %scan3A_8 to %scan3A_10 step %scan3A_11 iter_args(%scan3A_31 = %scan3A_7) -> (i32)  : i32 {
      %broadcast_in_dim3A = arith.constant 1.000000e+00 : f32
      %broadcast_in_dim3A_32 = vector.broadcast %broadcast_in_dim3A : f32 to vector<16xf32>
      %mul3A_33 = arith.constant 16 : i32
      %mul3A_34 = arith.muli %scan3A_30, %mul3A_33 : i32
      %swap3A = arith.index_cast %mul3A_34 : i32 to index
      %swap3A_35 = tpu.vector_load %arg5[%swap3A] {strides = array<i32>} : memref<80xf32, #tpu.memory_space<vmem>>, vector<16xf32>,
      %swap3A_36 = vector.shape_cast %swap3A_35 : vector<16xf32> to vector<16xf32>
      %swap3A_37 = vector.shape_cast %broadcast_in_dim3A_32 : vector<16xf32> to vector<16xf32>
      tpu.vector_store %arg5[%swap3A], %swap3A_37 {strides = array<i32>} : memref<80xf32, #tpu.memory_space<vmem>>, vector<16xf32>,
      %scan3A_38 = arith.constant 0 : i32
      scf.yield %scan3A_38 : i32
    }
    %scan3A_13 = arith.constant 5 : i32
    %mul3A_14 = arith.constant 640 : i32
    %mul3A_15 = arith.muli %arg1, %mul3A_14 : i32
    "tpu.region"() ({
      %run_scoped3A = tpu.sem_alloc : memref<!tpu.dma_semaphore, #tpu.memory_space<semaphore_mem>>
      %dma_start3A = tpu.memref_slice %arg7[%mul3A_15] : memref<10240xf32, #tpu.memory_space<vmem_shared>> -> memref<640xf32, #tpu.memory_space<vmem_shared>>
      %dma_start3A_30 = tpu.memref_slice %arg7[%mul3A_15] : memref<10240xf32, #tpu.memory_space<vmem_shared>> -> memref<640xf32, #tpu.memory_space<vmem_shared>>
      tpu.enqueue_dma source(%arg6 : memref<640xf32, #tpu.memory_space<vmem>>) target(%dma_start3A_30 : memref<640xf32, #tpu.memory_space<vmem_shared>>) target_semaphore(%run_scoped3A : memref<!tpu.dma_semaphore, #tpu.memory_space<semaphore_mem>>)
      %dma_wait3A = tpu.memref_slice %arg7[%mul3A_15] : memref<10240xf32, #tpu.memory_space<vmem_shared>> -> memref<640xf32, #tpu.memory_space<vmem_shared>>
      %dma_wait3A_31 = tpu.memref_slice %arg7[%mul3A_15] : memref<10240xf32, #tpu.memory_space<vmem_shared>> -> memref<640xf32, #tpu.memory_space<vmem_shared>>
      tpu.wait_dma2 semaphore(%run_scoped3A : memref<!tpu.dma_semaphore, #tpu.memory_space<semaphore_mem>>) src(%arg6 : memref<640xf32, #tpu.memory_space<vmem>>) dst(%dma_wait3A_31 : memref<640xf32, #tpu.memory_space<vmem_shared>>)
      tpu.yield
    }) : () -> ()
    %barrier3A = arith.constant 0 : index
    tpu.barrier barrier_id(%barrier3A)
    %mul3A_16 = arith.constant 10000 : i32
    %mul3A_17 = arith.muli %add3A, %mul3A_16 : i32
    %scan3A_18 = arith.constant 0 : i32
    %scan3A_19 = arith.constant 0 : i32
    %scan3A_20 = arith.constant 125 : i32
    %scan3A_21 = arith.addi %scan3A_19, %scan3A_20 : i32
    %scan3A_22 = arith.constant 1 : i32
    %scan3A_23 = scf.for %scan3A_30 = %scan3A_19 to %scan3A_21 step %scan3A_22 iter_args(%scan3A_31 = %scan3A_18) -> (i32)  : i32 {
      %mul3A_32 = arith.constant 80 : i32
      %mul3A_33 = arith.muli %scan3A_30, %mul3A_32 : i32
      %add3A_34 = arith.addi %mul3A_17, %mul3A_33 : i32
      "tpu.region"() ({
        %run_scoped3A = tpu.sem_alloc : memref<!tpu.dma_semaphore, #tpu.memory_space<semaphore_mem>>
        %dma_start3A = tpu.memref_slice %arg2[%add3A_34] : memref<320000xi32, #tpu.memory_space<hbm>> -> memref<80xi32, #tpu.memory_space<hbm>>
        %dma_start3A_36 = tpu.memref_slice %arg2[%add3A_34] : memref<320000xi32, #tpu.memory_space<hbm>> -> memref<80xi32, #tpu.memory_space<hbm>>
        tpu.enqueue_dma source(%dma_start3A_36 : memref<80xi32, #tpu.memory_space<hbm>>) target(%arg4 : memref<80xi32, #tpu.memory_space<vmem>>) target_semaphore(%run_scoped3A : memref<!tpu.dma_semaphore, #tpu.memory_space<semaphore_mem>>)
        %dma_wait3A = tpu.memref_slice %arg2[%add3A_34] : memref<320000xi32, #tpu.memory_space<hbm>> -> memref<80xi32, #tpu.memory_space<hbm>>
        %dma_wait3A_37 = tpu.memref_slice %arg2[%add3A_34] : memref<320000xi32, #tpu.memory_space<hbm>> -> memref<80xi32, #tpu.memory_space<hbm>>
        tpu.wait_dma2 semaphore(%run_scoped3A : memref<!tpu.dma_semaphore, #tpu.memory_space<semaphore_mem>>) src(%dma_wait3A_37 : memref<80xi32, #tpu.memory_space<hbm>>) dst(%arg4 : memref<80xi32, #tpu.memory_space<vmem>>)
        tpu.yield
      }) : () -> ()
      "tpu.region"() ({
        %run_scoped3A = tpu.sem_alloc : memref<!tpu.dma_semaphore, #tpu.memory_space<semaphore_mem>>
        %dma_start3A = arith.constant 0 : i32
        %dma_start3A_36 = tpu.memref_slice %arg7[%dma_start3A] : memref<10240xf32, #tpu.memory_space<vmem_shared>> -> memref<10240xf32, #tpu.memory_space<vmem_shared>>
        tpu.enqueue_indirect_dma source(%arg5 : memref<80xf32, #tpu.memory_space<vmem>>) target(%dma_start3A_36 : memref<10240xf32, #tpu.memory_space<vmem_shared>>) offsets(%arg4 : memref<80xi32, #tpu.memory_space<vmem>>) semaphore(%run_scoped3A : memref<!tpu.dma_semaphore, #tpu.memory_space<semaphore_mem>>) {add = true}
        %dma_wait3A = arith.constant 0 : i32
        %dma_wait3A_37 = tpu.memref_slice %arg7[%dma_wait3A] : memref<10240xf32, #tpu.memory_space<vmem_shared>> -> memref<10240xf32, #tpu.memory_space<vmem_shared>>
        tpu.wait_indirect_dma semaphore(%run_scoped3A : memref<!tpu.dma_semaphore, #tpu.memory_space<semaphore_mem>>) src(%arg5 : memref<80xf32, #tpu.memory_space<vmem>>) dst(%dma_wait3A_37 : memref<10240xf32, #tpu.memory_space<vmem_shared>>)
        tpu.yield
      }) : () -> ()
      %scan3A_35 = arith.constant 0 : i32
      scf.yield %scan3A_35 : i32
    }
    %scan3A_24 = arith.constant 125 : i32
    %barrier3A_25 = arith.constant 0 : index
    tpu.barrier barrier_id(%barrier3A_25)
    %mul3A_26 = arith.constant 640 : i32
    %mul3A_27 = arith.muli %arg1, %mul3A_26 : i32
    %mul3A_28 = arith.constant 640 : i32
    %mul3A_29 = arith.muli %arg1, %mul3A_28 : i32
    "tpu.region"() ({
      %run_scoped3A = tpu.sem_alloc : memref<!tpu.dma_semaphore, #tpu.memory_space<semaphore_mem>>
      %dma_start3A = tpu.memref_slice %arg3[%arg0, %mul3A_29] : memref<2x10240xf32, #tpu.memory_space<hbm>> -> memref<1x640xf32, #tpu.memory_space<hbm>>
      %dma_start3A_30 = tpu.memref_squeeze %dma_start3A : memref<1x640xf32, #tpu.memory_space<hbm>> -> memref<640xf32, #tpu.memory_space<hbm>>
      %dma_start3A_31 = tpu.memref_slice %arg7[%mul3A_27] : memref<10240xf32, #tpu.memory_space<vmem_shared>> -> memref<640xf32, #tpu.memory_space<vmem_shared>>
      tpu.enqueue_dma source(%dma_start3A_31 : memref<640xf32, #tpu.memory_space<vmem_shared>>) target(%dma_start3A_30 : memref<640xf32, #tpu.memory_space<hbm>>) target_semaphore(%run_scoped3A : memref<!tpu.dma_semaphore, #tpu.memory_space<semaphore_mem>>)
      %dma_wait3A = tpu.memref_slice %arg3[%arg0, %mul3A_29] : memref<2x10240xf32, #tpu.memory_space<hbm>> -> memref<1x640xf32, #tpu.memory_space<hbm>>
      %dma_wait3A_32 = tpu.memref_squeeze %dma_wait3A : memref<1x640xf32, #tpu.memory_space<hbm>> -> memref<640xf32, #tpu.memory_space<hbm>>
      %dma_wait3A_33 = tpu.memref_slice %arg7[%mul3A_27] : memref<10240xf32, #tpu.memory_space<vmem_shared>> -> memref<640xf32, #tpu.memory_space<vmem_shared>>
      tpu.wait_dma2 semaphore(%run_scoped3A : memref<!tpu.dma_semaphore, #tpu.memory_space<semaphore_mem>>) src(%dma_wait3A_33 : memref<640xf32, #tpu.memory_space<vmem_shared>>) dst(%dma_wait3A_32 : memref<640xf32, #tpu.memory_space<hbm>>)
      tpu.yield
    }) : () -> ()
    return
  }
}

#map = affine_map<(d0, d1) -> (0, 0)>
#map1 = affine_map<(d0, d1) -> (0)>
#map2 = affine_map<(d0, d1) -> (0, 0, 0)>
module attributes {stable_mosaic.version = 14 : i64} {
  func.func @_sc_scatter(%arg0: i32, %arg1: i32, %arg2: memref<10000x128xf32, #tpu.memory_space<hbm>>, %arg3: memref<320000xi32, #tpu.memory_space<hbm>>, %arg4: memref<320000xi32, #tpu.memory_space<hbm>>, %arg5: memref<2x10240x128xf32, #tpu.memory_space<hbm>>, %arg6: memref<80xi32, #tpu.memory_space<vmem>>, %arg7: memref<80xi32, #tpu.memory_space<vmem>>, %arg8: memref<80x128xf32, #tpu.memory_space<vmem>>, %arg9: memref<128x128xf32, #tpu.memory_space<vmem>>, %arg10: memref<10240x128xf32, #tpu.memory_space<vmem_shared>>, %arg11: memref<!tpu.dma_semaphore, #tpu.memory_space<semaphore_mem>>) attributes {dimension_semantics = [#tpu.dimension_semantics<core_parallel>, #tpu.dimension_semantics<subcore_parallel>], iteration_bounds = array<i64: 2, 16>, scalar_prefetch = 0 : i64, scratch_operands = 6 : i64, tpu.core_type = #tpu.core_type<sc_vector_subcore>, window_params = [{transform_indices = #map}, {transform_indices = #map1}, {transform_indices = #map1}, {transform_indices = #map2}]} {
    %mul3A = arith.constant 2 : i32
    %mul3A_0 = arith.muli %arg1, %mul3A : i32
    %add3A = arith.addi %mul3A_0, %arg0 : i32
    %scan3A = arith.constant 0 : i32
    %scan3A_1 = arith.constant 0 : i32
    %scan3A_2 = arith.constant 1024 : i32
    %scan3A_3 = arith.addi %scan3A_1, %scan3A_2 : i32
    %scan3A_4 = arith.constant 1 : i32
    %scan3A_5 = scf.for %scan3A_31 = %scan3A_1 to %scan3A_3 step %scan3A_4 iter_args(%scan3A_32 = %scan3A) -> (i32)  : i32 {
      %broadcast_in_dim3A = arith.constant 0.000000e+00 : f32
      %broadcast_in_dim3A_33 = vector.broadcast %broadcast_in_dim3A : f32 to vector<16xf32>
      %jit3A = arith.constant 8 : i32
      %div3A = arith.divsi %scan3A_31, %jit3A : i32
      %sign3A = arith.constant 0 : i32
      %sign3A_34 = arith.cmpi sgt, %scan3A_31, %sign3A : i32
      %sign3A_35 = arith.extui %sign3A_34 : i1 to i32
      %sign3A_36 = arith.constant 0 : i32
      %sign3A_37 = arith.cmpi slt, %scan3A_31, %sign3A_36 : i32
      %sign3A_38 = arith.extui %sign3A_37 : i1 to i32
      %sign3A_39 = arith.subi %sign3A_35, %sign3A_38 : i32
      %sign3A_40 = arith.constant 0 : i32
      %sign3A_41 = arith.cmpi sgt, %jit3A, %sign3A_40 : i32
      %sign3A_42 = arith.extui %sign3A_41 : i1 to i32
      %sign3A_43 = arith.constant 0 : i32
      %sign3A_44 = arith.cmpi slt, %jit3A, %sign3A_43 : i32
      %sign3A_45 = arith.extui %sign3A_44 : i1 to i32
      %sign3A_46 = arith.subi %sign3A_42, %sign3A_45 : i32
      %ne3A = arith.cmpi ne, %sign3A_39, %sign3A_46 : i32
      %rem3A = arith.remsi %scan3A_31, %jit3A : i32
      %ne3A_47 = arith.constant 0 : i32
      %ne3A_48 = arith.cmpi ne, %rem3A, %ne3A_47 : i32
      %and3A = arith.andi %ne3A, %ne3A_48 : i1
      %sub3A = arith.constant 1 : i32
      %sub3A_49 = arith.subi %div3A, %sub3A : i32
      %select_n3A = arith.select %and3A, %sub3A_49, %div3A : i32
      %jit3A_50 = arith.constant 8 : i32
      %eq3A = arith.constant 0 : i32
      %eq3A_51 = arith.cmpi eq, %jit3A_50, %eq3A : i32
      %jit3A_52 = arith.constant 1 : i32
      %select_n3A_53 = arith.select %eq3A_51, %jit3A_52, %jit3A_50 : i32
      %rem3A_54 = arith.remsi %scan3A_31, %select_n3A_53 : i32
      %ne3A_55 = arith.constant 0 : i32
      %ne3A_56 = arith.cmpi ne, %rem3A_54, %ne3A_55 : i32
      %lt3A = arith.constant 0 : i32
      %lt3A_57 = arith.cmpi slt, %rem3A_54, %lt3A : i32
      %lt3A_58 = arith.constant 0 : i32
      %lt3A_59 = arith.cmpi slt, %select_n3A_53, %lt3A_58 : i32
      %ne3A_60 = arith.xori %lt3A_57, %lt3A_59 : i1
      %and3A_61 = arith.andi %ne3A_60, %ne3A_56 : i1
      %add3A_62 = arith.addi %rem3A_54, %select_n3A_53 : i32
      %select_n3A_63 = arith.select %and3A_61, %add3A_62, %rem3A_54 : i32
      %mul3A_64 = arith.constant 16 : i32
      %mul3A_65 = arith.muli %select_n3A_63, %mul3A_64 : i32
      %swap3A = arith.index_cast %select_n3A : i32 to index
      %swap3A_66 = arith.index_cast %mul3A_65 : i32 to index
      %swap3A_67 = tpu.vector_load %arg9[%swap3A, %swap3A_66] {strides = array<i32>} : memref<128x128xf32, #tpu.memory_space<vmem>>, vector<1x16xf32>,
      %swap3A_68 = vector.shape_cast %swap3A_67 : vector<1x16xf32> to vector<16xf32>
      %swap3A_69 = vector.shape_cast %broadcast_in_dim3A_33 : vector<16xf32> to vector<1x16xf32>
      tpu.vector_store %arg9[%swap3A, %swap3A_66], %swap3A_69 {strides = array<i32>} : memref<128x128xf32, #tpu.memory_space<vmem>>, vector<1x16xf32>,
      %scan3A_70 = arith.constant 0 : i32
      scf.yield %scan3A_70 : i32
    }
    %scan3A_6 = arith.constant 1024 : i32
    %scan3A_7 = arith.constant 0 : i32
    %scan3A_8 = arith.constant 0 : i32
    %scan3A_9 = arith.constant 5 : i32
    %scan3A_10 = arith.addi %scan3A_8, %scan3A_9 : i32
    %scan3A_11 = arith.constant 1 : i32
    %scan3A_12 = scf.for %scan3A_31 = %scan3A_8 to %scan3A_10 step %scan3A_11 iter_args(%scan3A_32 = %scan3A_7) -> (i32)  : i32 {
      %mul3A_33 = arith.constant 640 : i32
      %mul3A_34 = arith.muli %arg1, %mul3A_33 : i32
      %mul3A_35 = arith.constant 128 : i32
      %mul3A_36 = arith.muli %scan3A_31, %mul3A_35 : i32
      %add3A_37 = arith.addi %mul3A_34, %mul3A_36 : i32
      "tpu.region"() ({
        %run_scoped3A = tpu.sem_alloc : memref<!tpu.dma_semaphore, #tpu.memory_space<semaphore_mem>>
        %dma_start3A = arith.constant 0 : i32
        %dma_start3A_39 = tpu.memref_slice %arg10[%add3A_37, %dma_start3A] : memref<10240x128xf32, #tpu.memory_space<vmem_shared>> -> memref<128x128xf32, #tpu.memory_space<vmem_shared>>
        %dma_start3A_40 = arith.constant 0 : i32
        %dma_start3A_41 = tpu.memref_slice %arg10[%add3A_37, %dma_start3A_40] : memref<10240x128xf32, #tpu.memory_space<vmem_shared>> -> memref<128x128xf32, #tpu.memory_space<vmem_shared>>
        tpu.enqueue_dma source(%arg9 : memref<128x128xf32, #tpu.memory_space<vmem>>) target(%dma_start3A_41 : memref<128x128xf32, #tpu.memory_space<vmem_shared>>) target_semaphore(%run_scoped3A : memref<!tpu.dma_semaphore, #tpu.memory_space<semaphore_mem>>)
        %dma_wait3A = arith.constant 0 : i32
        %dma_wait3A_42 = tpu.memref_slice %arg10[%add3A_37, %dma_wait3A] : memref<10240x128xf32, #tpu.memory_space<vmem_shared>> -> memref<128x128xf32, #tpu.memory_space<vmem_shared>>
        %dma_wait3A_43 = arith.constant 0 : i32
        %dma_wait3A_44 = tpu.memref_slice %arg10[%add3A_37, %dma_wait3A_43] : memref<10240x128xf32, #tpu.memory_space<vmem_shared>> -> memref<128x128xf32, #tpu.memory_space<vmem_shared>>
        tpu.wait_dma2 semaphore(%run_scoped3A : memref<!tpu.dma_semaphore, #tpu.memory_space<semaphore_mem>>) src(%arg9 : memref<128x128xf32, #tpu.memory_space<vmem>>) dst(%dma_wait3A_44 : memref<128x128xf32, #tpu.memory_space<vmem_shared>>)
        tpu.yield
      }) : () -> ()
      %scan3A_38 = arith.constant 0 : i32
      scf.yield %scan3A_38 : i32
    }
    %scan3A_13 = arith.constant 5 : i32
    %barrier3A = arith.constant 0 : index
    tpu.barrier barrier_id(%barrier3A)
    %mul3A_14 = arith.constant 10000 : i32
    %mul3A_15 = arith.muli %add3A, %mul3A_14 : i32
    %scan3A_16 = arith.constant 0 : i32
    %scan3A_17 = arith.constant 0 : i32
    %scan3A_18 = arith.constant 125 : i32
    %scan3A_19 = arith.addi %scan3A_17, %scan3A_18 : i32
    %scan3A_20 = arith.constant 1 : i32
    %scan3A_21 = scf.for %scan3A_31 = %scan3A_17 to %scan3A_19 step %scan3A_20 iter_args(%scan3A_32 = %scan3A_16) -> (i32)  : i32 {
      %mul3A_33 = arith.constant 80 : i32
      %mul3A_34 = arith.muli %scan3A_31, %mul3A_33 : i32
      %add3A_35 = arith.addi %mul3A_15, %mul3A_34 : i32
      "tpu.region"() ({
        %run_scoped3A = tpu.sem_alloc : memref<!tpu.dma_semaphore, #tpu.memory_space<semaphore_mem>>
        %dma_start3A_41 = tpu.memref_slice %arg3[%add3A_35] : memref<320000xi32, #tpu.memory_space<hbm>> -> memref<80xi32, #tpu.memory_space<hbm>>
        %dma_start3A_42 = tpu.memref_slice %arg3[%add3A_35] : memref<320000xi32, #tpu.memory_space<hbm>> -> memref<80xi32, #tpu.memory_space<hbm>>
        tpu.enqueue_dma source(%dma_start3A_42 : memref<80xi32, #tpu.memory_space<hbm>>) target(%arg6 : memref<80xi32, #tpu.memory_space<vmem>>) target_semaphore(%run_scoped3A : memref<!tpu.dma_semaphore, #tpu.memory_space<semaphore_mem>>)
        %dma_wait3A_43 = tpu.memref_slice %arg3[%add3A_35] : memref<320000xi32, #tpu.memory_space<hbm>> -> memref<80xi32, #tpu.memory_space<hbm>>
        %dma_wait3A_44 = tpu.memref_slice %arg3[%add3A_35] : memref<320000xi32, #tpu.memory_space<hbm>> -> memref<80xi32, #tpu.memory_space<hbm>>
        tpu.wait_dma2 semaphore(%run_scoped3A : memref<!tpu.dma_semaphore, #tpu.memory_space<semaphore_mem>>) src(%dma_wait3A_44 : memref<80xi32, #tpu.memory_space<hbm>>) dst(%arg6 : memref<80xi32, #tpu.memory_space<vmem>>)
        tpu.yield
      }) : () -> ()
      "tpu.region"() ({
        %run_scoped3A = tpu.sem_alloc : memref<!tpu.dma_semaphore, #tpu.memory_space<semaphore_mem>>
        %dma_start3A_41 = tpu.memref_slice %arg4[%add3A_35] : memref<320000xi32, #tpu.memory_space<hbm>> -> memref<80xi32, #tpu.memory_space<hbm>>
        %dma_start3A_42 = tpu.memref_slice %arg4[%add3A_35] : memref<320000xi32, #tpu.memory_space<hbm>> -> memref<80xi32, #tpu.memory_space<hbm>>
        tpu.enqueue_dma source(%dma_start3A_42 : memref<80xi32, #tpu.memory_space<hbm>>) target(%arg7 : memref<80xi32, #tpu.memory_space<vmem>>) target_semaphore(%run_scoped3A : memref<!tpu.dma_semaphore, #tpu.memory_space<semaphore_mem>>)
        %dma_wait3A_43 = tpu.memref_slice %arg4[%add3A_35] : memref<320000xi32, #tpu.memory_space<hbm>> -> memref<80xi32, #tpu.memory_space<hbm>>
        %dma_wait3A_44 = tpu.memref_slice %arg4[%add3A_35] : memref<320000xi32, #tpu.memory_space<hbm>> -> memref<80xi32, #tpu.memory_space<hbm>>
        tpu.wait_dma2 semaphore(%run_scoped3A : memref<!tpu.dma_semaphore, #tpu.memory_space<semaphore_mem>>) src(%dma_wait3A_44 : memref<80xi32, #tpu.memory_space<hbm>>) dst(%arg7 : memref<80xi32, #tpu.memory_space<vmem>>)
        tpu.yield
      }) : () -> ()
      %dma_start3A = arith.constant 0 : i32
      %dma_start3A_36 = arith.constant 0 : i32
      %dma_start3A_37 = tpu.memref_slice %arg2[%dma_start3A, %dma_start3A_36] : memref<10000x128xf32, #tpu.memory_space<hbm>> -> memref<10000x128xf32, #tpu.memory_space<hbm>>
      tpu.enqueue_indirect_dma source(%dma_start3A_37 : memref<10000x128xf32, #tpu.memory_space<hbm>>) target(%arg8 : memref<80x128xf32, #tpu.memory_space<vmem>>) offsets(%arg6 : memref<80xi32, #tpu.memory_space<vmem>>) semaphore(%arg11 : memref<!tpu.dma_semaphore, #tpu.memory_space<semaphore_mem>>)
      %dma_wait3A = arith.constant 0 : i32
      %dma_wait3A_38 = arith.constant 0 : i32
      %dma_wait3A_39 = tpu.memref_slice %arg2[%dma_wait3A, %dma_wait3A_38] : memref<10000x128xf32, #tpu.memory_space<hbm>> -> memref<10000x128xf32, #tpu.memory_space<hbm>>
      tpu.wait_indirect_dma semaphore(%arg11 : memref<!tpu.dma_semaphore, #tpu.memory_space<semaphore_mem>>) src(%dma_wait3A_39 : memref<10000x128xf32, #tpu.memory_space<hbm>>) dst(%arg8 : memref<80x128xf32, #tpu.memory_space<vmem>>)
      "tpu.region"() ({
        %run_scoped3A = tpu.sem_alloc : memref<!tpu.dma_semaphore, #tpu.memory_space<semaphore_mem>>
        %dma_start3A_41 = arith.constant 0 : i32
        %dma_start3A_42 = arith.constant 0 : i32
        %dma_start3A_43 = tpu.memref_slice %arg10[%dma_start3A_41, %dma_start3A_42] : memref<10240x128xf32, #tpu.memory_space<vmem_shared>> -> memref<10240x128xf32, #tpu.memory_space<vmem_shared>>
        tpu.enqueue_indirect_dma source(%arg8 : memref<80x128xf32, #tpu.memory_space<vmem>>) target(%dma_start3A_43 : memref<10240x128xf32, #tpu.memory_space<vmem_shared>>) offsets(%arg7 : memref<80xi32, #tpu.memory_space<vmem>>) semaphore(%run_scoped3A : memref<!tpu.dma_semaphore, #tpu.memory_space<semaphore_mem>>) {add = true}
        %dma_wait3A_44 = arith.constant 0 : i32
        %dma_wait3A_45 = arith.constant 0 : i32
        %dma_wait3A_46 = tpu.memref_slice %arg10[%dma_wait3A_44, %dma_wait3A_45] : memref<10240x128xf32, #tpu.memory_space<vmem_shared>> -> memref<10240x128xf32, #tpu.memory_space<vmem_shared>>
        tpu.wait_indirect_dma semaphore(%run_scoped3A : memref<!tpu.dma_semaphore, #tpu.memory_space<semaphore_mem>>) src(%arg8 : memref<80x128xf32, #tpu.memory_space<vmem>>) dst(%dma_wait3A_46 : memref<10240x128xf32, #tpu.memory_space<vmem_shared>>)
        tpu.yield
      }) : () -> ()
      %scan3A_40 = arith.constant 0 : i32
      scf.yield %scan3A_40 : i32
    }
    %scan3A_22 = arith.constant 125 : i32
    %barrier3A_23 = arith.constant 0 : index
    tpu.barrier barrier_id(%barrier3A_23)
    %scan3A_24 = arith.constant 0 : i32
    %scan3A_25 = arith.constant 0 : i32
    %scan3A_26 = arith.constant 5 : i32
    %scan3A_27 = arith.addi %scan3A_25, %scan3A_26 : i32
    %scan3A_28 = arith.constant 1 : i32
    %scan3A_29 = scf.for %scan3A_31 = %scan3A_25 to %scan3A_27 step %scan3A_28 iter_args(%scan3A_32 = %scan3A_24) -> (i32)  : i32 {
      %mul3A_33 = arith.constant 640 : i32
      %mul3A_34 = arith.muli %arg1, %mul3A_33 : i32
      %mul3A_35 = arith.constant 128 : i32
      %mul3A_36 = arith.muli %scan3A_31, %mul3A_35 : i32
      %add3A_37 = arith.addi %mul3A_34, %mul3A_36 : i32
      "tpu.region"() ({
        %run_scoped3A = tpu.sem_alloc : memref<!tpu.dma_semaphore, #tpu.memory_space<semaphore_mem>>
        %dma_start3A = arith.constant 0 : i32
        %dma_start3A_39 = tpu.memref_slice %arg5[%arg0, %add3A_37, %dma_start3A] : memref<2x10240x128xf32, #tpu.memory_space<hbm>> -> memref<1x128x128xf32, #tpu.memory_space<hbm>>
        %dma_start3A_40 = tpu.memref_squeeze %dma_start3A_39 : memref<1x128x128xf32, #tpu.memory_space<hbm>> -> memref<128x128xf32, #tpu.memory_space<hbm>>
        %dma_start3A_41 = arith.constant 0 : i32
        %dma_start3A_42 = tpu.memref_slice %arg10[%add3A_37, %dma_start3A_41] : memref<10240x128xf32, #tpu.memory_space<vmem_shared>> -> memref<128x128xf32, #tpu.memory_space<vmem_shared>>
        tpu.enqueue_dma source(%dma_start3A_42 : memref<128x128xf32, #tpu.memory_space<vmem_shared>>) target(%dma_start3A_40 : memref<128x128xf32, #tpu.memory_space<hbm>>) target_semaphore(%run_scoped3A : memref<!tpu.dma_semaphore, #tpu.memory_space<semaphore_mem>>)
        %dma_wait3A = arith.constant 0 : i32
        %dma_wait3A_43 = tpu.memref_slice %arg5[%arg0, %add3A_37, %dma_wait3A] : memref<2x10240x128xf32, #tpu.memory_space<hbm>> -> memref<1x128x128xf32, #tpu.memory_space<hbm>>
        %dma_wait3A_44 = tpu.memref_squeeze %dma_wait3A_43 : memref<1x128x128xf32, #tpu.memory_space<hbm>> -> memref<128x128xf32, #tpu.memory_space<hbm>>
        %dma_wait3A_45 = arith.constant 0 : i32
        %dma_wait3A_46 = tpu.memref_slice %arg10[%add3A_37, %dma_wait3A_45] : memref<10240x128xf32, #tpu.memory_space<vmem_shared>> -> memref<128x128xf32, #tpu.memory_space<vmem_shared>>
        tpu.wait_dma2 semaphore(%run_scoped3A : memref<!tpu.dma_semaphore, #tpu.memory_space<semaphore_mem>>) src(%dma_wait3A_46 : memref<128x128xf32, #tpu.memory_space<vmem_shared>>) dst(%dma_wait3A_44 : memref<128x128xf32, #tpu.memory_space<hbm>>)
        tpu.yield
      }) : () -> ()
      %scan3A_38 = arith.constant 0 : i32
      scf.yield %scan3A_38 : i32
    }
    %scan3A_30 = arith.constant 5 : i32
    return
  }
}

module attributes {stable_mosaic.version = 14 : i64} {
  func.func @_tc_in_body(%arg0: i32, %arg1: memref<1000x128xf32, #tpu.memory_space<vmem>>, %arg2: memref<128x128xf32, #tpu.memory_space<vmem>>, %arg3: memref<1x128xf32, #tpu.memory_space<vmem>>, %arg4: memref<1000x1xf32, #tpu.memory_space<vmem>>, %arg5: memref<1000x1xf32, #tpu.memory_space<vmem>>, %arg6: memref<1000x128xf32, #tpu.memory_space<vmem>>, %arg7: memref<1000x128xf32, #tpu.memory_space<vmem>>, %arg8: memref<1000x1xf32, #tpu.memory_space<vmem>>) attributes {dimension_semantics = [#tpu.dimension_semantics<arbitrary>], iteration_bounds = array<i64: 10>, scalar_prefetch = 0 : i64, scratch_operands = 0 : i64, tpu.core_type = #tpu.core_type<tc>, window_params = [{transform_indices = @transform_0, window_bounds = array<i64: 1000, 128>}, {pipeline_mode = #tpu.pipeline_mode<synchronous>, transform_indices = @transform_1, window_bounds = array<i64: 128, 128>}, {pipeline_mode = #tpu.pipeline_mode<synchronous>, transform_indices = @transform_2, window_bounds = array<i64: 1, 128>}, {transform_indices = @transform_3, window_bounds = array<i64: 1000, 1>}, {transform_indices = @transform_4, window_bounds = array<i64: 1000, 1>}, {transform_indices = @transform_5, window_bounds = array<i64: 1000, 128>}, {transform_indices = @transform_6, window_bounds = array<i64: 1000, 128>}, {transform_indices = @transform_7, window_bounds = array<i64: 1000, 1>}]} {
    %get3A = arith.constant 0 : index
    %get3A_0 = arith.constant 0 : index
    %get3A_1 = vector.load %arg1[%get3A, %get3A_0] : memref<1000x128xf32, #tpu.memory_space<vmem>>, vector<1000x128xf32>
    %get3A_2 = arith.constant 0 : index
    %get3A_3 = arith.constant 0 : index
    %get3A_4 = vector.load %arg2[%get3A_2, %get3A_3] : memref<128x128xf32, #tpu.memory_space<vmem>>, vector<128x128xf32>
    %dot_general3A = arith.constant dense<0.000000e+00> : vector<1000x128xf32>
    %dot_general3A_5 = tpu.matmul %get3A_1, %get3A_4, %dot_general3A {dimension_numbers = #tpu.dot_dimension_numbers<[1], [0], [0], [1], [0, 0, 1, 1], [], []>, transpose_lhs_hint = false} : vector<1000x128xf32>, vector<128x128xf32>, vector<1000x128xf32> -> vector<1000x128xf32>
    %get3A_6 = arith.constant 0 : index
    %get3A_7 = arith.constant 0 : index
    %get3A_8 = vector.load %arg3[%get3A_6, %get3A_7] : memref<1x128xf32, #tpu.memory_space<vmem>>, vector<1x128xf32>
    %add3A = vector.broadcast %get3A_8 : vector<1x128xf32> to vector<1000x128xf32>
    %add3A_9 = arith.addf %dot_general3A_5, %add3A : vector<1000x128xf32>
    %max3A = arith.constant 0.000000e+00 : f32
    %max3A_10 = vector.broadcast %max3A : f32 to vector<1000x128xf32>
    %max3A_11 = arith.maximumf %add3A_9, %max3A_10 : vector<1000x128xf32>
    %get3A_12 = arith.constant 0 : index
    %get3A_13 = arith.constant 0 : index
    %get3A_14 = vector.load %arg4[%get3A_12, %get3A_13] : memref<1000x1xf32, #tpu.memory_space<vmem>>, vector<1000x1xf32>
    %get3A_15 = arith.constant 0 : index
    %get3A_16 = arith.constant 0 : index
    %get3A_17 = vector.load %arg5[%get3A_15, %get3A_16] : memref<1000x1xf32, #tpu.memory_space<vmem>>, vector<1000x1xf32>
    %add3A_18 = arith.addf %get3A_14, %get3A_17 : vector<1000x1xf32>
    %max3A_19 = arith.constant 1.000000e+00 : f32
    %max3A_20 = vector.broadcast %max3A_19 : f32 to vector<1000x1xf32>
    %max3A_21 = arith.maximumf %add3A_18, %max3A_20 : vector<1000x1xf32>
    %rsqrt3A = math.rsqrt %max3A_21 : vector<1000x1xf32>
    %swap3A = arith.constant 0 : index
    %swap3A_22 = arith.constant 0 : index
    %swap3A_23 = vector.load %arg6[%swap3A, %swap3A_22] : memref<1000x128xf32, #tpu.memory_space<vmem>>, vector<1000x128xf32>
    tpu.vector_store %arg6[%swap3A, %swap3A_22], %max3A_11 {strides = array<i32>} : memref<1000x128xf32, #tpu.memory_space<vmem>>, vector<1000x128xf32>,
    %mul3A = vector.broadcast %rsqrt3A : vector<1000x1xf32> to vector<1000x128xf32>
    %mul3A_24 = arith.mulf %max3A_11, %mul3A : vector<1000x128xf32>
    %swap3A_25 = arith.constant 0 : index
    %swap3A_26 = arith.constant 0 : index
    %swap3A_27 = vector.load %arg7[%swap3A_25, %swap3A_26] : memref<1000x128xf32, #tpu.memory_space<vmem>>, vector<1000x128xf32>
    tpu.vector_store %arg7[%swap3A_25, %swap3A_26], %mul3A_24 {strides = array<i32>} : memref<1000x128xf32, #tpu.memory_space<vmem>>, vector<1000x128xf32>,
    %swap3A_28 = arith.constant 0 : index
    %swap3A_29 = arith.constant 0 : index
    %swap3A_30 = vector.load %arg8[%swap3A_28, %swap3A_29] : memref<1000x1xf32, #tpu.memory_space<vmem>>, vector<1000x1xf32>
    tpu.vector_store %arg8[%swap3A_28, %swap3A_29], %rsqrt3A {strides = array<i32>} : memref<1000x1xf32, #tpu.memory_space<vmem>>, vector<1000x1xf32>,
    return
  }
  func.func @transform_0(%arg0: i32) -> (i32, i32) {
    %c0_i32 = arith.constant 0 : i32
    %c0_i32_0 = arith.constant 0 : i32
    return %arg0, %c0_i32 : i32, i32
  }
  func.func @transform_1(%arg0: i32) -> (i32, i32) {
    %c0_i32 = arith.constant 0 : i32
    %c0_i32_0 = arith.constant 0 : i32
    %c0_i32_1 = arith.constant 0 : i32
    return %c0_i32, %c0_i32_0 : i32, i32
  }
  func.func @transform_2(%arg0: i32) -> (i32, i32) {
    %c0_i32 = arith.constant 0 : i32
    %c0_i32_0 = arith.constant 0 : i32
    %c0_i32_1 = arith.constant 0 : i32
    return %c0_i32, %c0_i32_0 : i32, i32
  }
  func.func @transform_3(%arg0: i32) -> (i32, i32) {
    %c0_i32 = arith.constant 0 : i32
    %c0_i32_0 = arith.constant 0 : i32
    return %arg0, %c0_i32 : i32, i32
  }
  func.func @transform_4(%arg0: i32) -> (i32, i32) {
    %c0_i32 = arith.constant 0 : i32
    %c0_i32_0 = arith.constant 0 : i32
    return %arg0, %c0_i32 : i32, i32
  }
  func.func @transform_5(%arg0: i32) -> (i32, i32) {
    %c0_i32 = arith.constant 0 : i32
    %c0_i32_0 = arith.constant 0 : i32
    return %arg0, %c0_i32 : i32, i32
  }
  func.func @transform_6(%arg0: i32) -> (i32, i32) {
    %c0_i32 = arith.constant 0 : i32
    %c0_i32_0 = arith.constant 0 : i32
    return %arg0, %c0_i32 : i32, i32
  }
  func.func @transform_7(%arg0: i32) -> (i32, i32) {
    %c0_i32 = arith.constant 0 : i32
    %c0_i32_0 = arith.constant 0 : i32
    return %arg0, %c0_i32 : i32, i32
  }
}

module attributes {stable_mosaic.version = 14 : i64} {
  func.func @_tc_layer_body(%arg0: i32, %arg1: memref<2x1000x128xf32, #tpu.memory_space<vmem>>, %arg2: memref<1000x1xf32, #tpu.memory_space<vmem>>, %arg3: memref<1000x128xf32, #tpu.memory_space<vmem>>, %arg4: memref<128x128xf32, #tpu.memory_space<vmem>>, %arg5: memref<1000x128xf32, #tpu.memory_space<vmem>>) attributes {dimension_semantics = [#tpu.dimension_semantics<arbitrary>], iteration_bounds = array<i64: 10>, scalar_prefetch = 0 : i64, scratch_operands = 0 : i64, tpu.core_type = #tpu.core_type<tc>, window_params = [{transform_indices = @transform_0, window_bounds = array<i64: 2, 1000, 128>}, {transform_indices = @transform_1, window_bounds = array<i64: 1000, 1>}, {transform_indices = @transform_2, window_bounds = array<i64: 1000, 128>}, {pipeline_mode = #tpu.pipeline_mode<synchronous>, transform_indices = @transform_3, window_bounds = array<i64: 128, 128>}, {transform_indices = @transform_4, window_bounds = array<i64: 1000, 128>}]} {
    %get3A = arith.constant 0 : index
    %get3A_0 = arith.constant 0 : index
    %get3A_1 = vector.load %arg2[%get3A, %get3A_0] : memref<1000x1xf32, #tpu.memory_space<vmem>>, vector<1000x1xf32>
    %get3A_2 = arith.constant 0 : index
    %get3A_3 = arith.constant 0 : index
    %get3A_4 = arith.constant 0 : index
    %get3A_5 = vector.load %arg1[%get3A_2, %get3A_3, %get3A_4] : memref<2x1000x128xf32, #tpu.memory_space<vmem>>, vector<1x1000x128xf32>
    %get3A_6 = vector.shape_cast %get3A_5 : vector<1x1000x128xf32> to vector<1000x128xf32>
    %get3A_7 = arith.constant 1 : index
    %get3A_8 = arith.constant 0 : index
    %get3A_9 = arith.constant 0 : index
    %get3A_10 = vector.load %arg1[%get3A_7, %get3A_8, %get3A_9] : memref<2x1000x128xf32, #tpu.memory_space<vmem>>, vector<1x1000x128xf32>
    %get3A_11 = vector.shape_cast %get3A_10 : vector<1x1000x128xf32> to vector<1000x128xf32>
    %add3A = arith.addf %get3A_6, %get3A_11 : vector<1000x128xf32>
    %mul3A = vector.broadcast %get3A_1 : vector<1000x1xf32> to vector<1000x128xf32>
    %mul3A_12 = arith.mulf %add3A, %mul3A : vector<1000x128xf32>
    %get3A_13 = arith.constant 0 : index
    %get3A_14 = arith.constant 0 : index
    %get3A_15 = vector.load %arg3[%get3A_13, %get3A_14] : memref<1000x128xf32, #tpu.memory_space<vmem>>, vector<1000x128xf32>
    %mul3A_16 = arith.constant 1.000000e+00 : f32
    %mul3A_17 = vector.broadcast %mul3A_16 : f32 to vector<1000x128xf32>
    %mul3A_18 = arith.mulf %mul3A_17, %get3A_15 : vector<1000x128xf32>
    %add3A_19 = arith.addf %mul3A_12, %mul3A_18 : vector<1000x128xf32>
    %get3A_20 = arith.constant 0 : index
    %get3A_21 = arith.constant 0 : index
    %get3A_22 = vector.load %arg4[%get3A_20, %get3A_21] : memref<128x128xf32, #tpu.memory_space<vmem>>, vector<128x128xf32>
    %dot_general3A = arith.constant dense<0.000000e+00> : vector<1000x128xf32>
    %dot_general3A_23 = tpu.matmul %add3A_19, %get3A_22, %dot_general3A {dimension_numbers = #tpu.dot_dimension_numbers<[1], [0], [0], [1], [0, 0, 1, 1], [], []>, transpose_lhs_hint = false} : vector<1000x128xf32>, vector<128x128xf32>, vector<1000x128xf32> -> vector<1000x128xf32>
    %max3A = arith.constant 0.000000e+00 : f32
    %max3A_24 = vector.broadcast %max3A : f32 to vector<1000x128xf32>
    %max3A_25 = arith.maximumf %dot_general3A_23, %max3A_24 : vector<1000x128xf32>
    %mul3A_26 = vector.broadcast %get3A_1 : vector<1000x1xf32> to vector<1000x128xf32>
    %mul3A_27 = arith.mulf %max3A_25, %mul3A_26 : vector<1000x128xf32>
    %swap3A = arith.constant 0 : index
    %swap3A_28 = arith.constant 0 : index
    %swap3A_29 = vector.load %arg5[%swap3A, %swap3A_28] : memref<1000x128xf32, #tpu.memory_space<vmem>>, vector<1000x128xf32>
    tpu.vector_store %arg5[%swap3A, %swap3A_28], %mul3A_27 {strides = array<i32>} : memref<1000x128xf32, #tpu.memory_space<vmem>>, vector<1000x128xf32>,
    return
  }
  func.func @transform_0(%arg0: i32) -> (i32, i32, i32) {
    %c0_i32 = arith.constant 0 : i32
    %c0_i32_0 = arith.constant 0 : i32
    %c0_i32_1 = arith.constant 0 : i32
    return %c0_i32, %arg0, %c0_i32_0 : i32, i32, i32
  }
  func.func @transform_1(%arg0: i32) -> (i32, i32) {
    %c0_i32 = arith.constant 0 : i32
    %c0_i32_0 = arith.constant 0 : i32
    return %arg0, %c0_i32 : i32, i32
  }
  func.func @transform_2(%arg0: i32) -> (i32, i32) {
    %c0_i32 = arith.constant 0 : i32
    %c0_i32_0 = arith.constant 0 : i32
    return %arg0, %c0_i32 : i32, i32
  }
  func.func @transform_3(%arg0: i32) -> (i32, i32) {
    %c0_i32 = arith.constant 0 : i32
    %c0_i32_0 = arith.constant 0 : i32
    %c0_i32_1 = arith.constant 0 : i32
    return %c0_i32, %c0_i32_0 : i32, i32
  }
  func.func @transform_4(%arg0: i32) -> (i32, i32) {
    %c0_i32 = arith.constant 0 : i32
    %c0_i32_0 = arith.constant 0 : i32
    return %arg0, %c0_i32 : i32, i32
  }
}

module attributes {stable_mosaic.version = 14 : i64} {
  func.func @_tc_out_body(%arg0: i32, %arg1: memref<2x1000x128xf32, #tpu.memory_space<vmem>>, %arg2: memref<1000x1xf32, #tpu.memory_space<vmem>>, %arg3: memref<1000x128xf32, #tpu.memory_space<vmem>>, %arg4: memref<128x128xf32, #tpu.memory_space<vmem>>, %arg5: memref<128x64xf32, #tpu.memory_space<vmem>>, %arg6: memref<1x64xf32, #tpu.memory_space<vmem>>, %arg7: memref<1000x64xf32, #tpu.memory_space<vmem>>) attributes {dimension_semantics = [#tpu.dimension_semantics<arbitrary>], iteration_bounds = array<i64: 10>, scalar_prefetch = 0 : i64, scratch_operands = 0 : i64, tpu.core_type = #tpu.core_type<tc>, window_params = [{transform_indices = @transform_0, window_bounds = array<i64: 2, 1000, 128>}, {transform_indices = @transform_1, window_bounds = array<i64: 1000, 1>}, {transform_indices = @transform_2, window_bounds = array<i64: 1000, 128>}, {pipeline_mode = #tpu.pipeline_mode<synchronous>, transform_indices = @transform_3, window_bounds = array<i64: 128, 128>}, {pipeline_mode = #tpu.pipeline_mode<synchronous>, transform_indices = @transform_4, window_bounds = array<i64: 128, 64>}, {pipeline_mode = #tpu.pipeline_mode<synchronous>, transform_indices = @transform_5, window_bounds = array<i64: 1, 64>}, {transform_indices = @transform_6, window_bounds = array<i64: 1000, 64>}]} {
    %get3A = arith.constant 0 : index
    %get3A_0 = arith.constant 0 : index
    %get3A_1 = arith.constant 0 : index
    %get3A_2 = vector.load %arg1[%get3A, %get3A_0, %get3A_1] : memref<2x1000x128xf32, #tpu.memory_space<vmem>>, vector<1x1000x128xf32>
    %get3A_3 = vector.shape_cast %get3A_2 : vector<1x1000x128xf32> to vector<1000x128xf32>
    %get3A_4 = arith.constant 1 : index
    %get3A_5 = arith.constant 0 : index
    %get3A_6 = arith.constant 0 : index
    %get3A_7 = vector.load %arg1[%get3A_4, %get3A_5, %get3A_6] : memref<2x1000x128xf32, #tpu.memory_space<vmem>>, vector<1x1000x128xf32>
    %get3A_8 = vector.shape_cast %get3A_7 : vector<1x1000x128xf32> to vector<1000x128xf32>
    %add3A = arith.addf %get3A_3, %get3A_8 : vector<1000x128xf32>
    %get3A_9 = arith.constant 0 : index
    %get3A_10 = arith.constant 0 : index
    %get3A_11 = vector.load %arg2[%get3A_9, %get3A_10] : memref<1000x1xf32, #tpu.memory_space<vmem>>, vector<1000x1xf32>
    %mul3A = vector.broadcast %get3A_11 : vector<1000x1xf32> to vector<1000x128xf32>
    %mul3A_12 = arith.mulf %add3A, %mul3A : vector<1000x128xf32>
    %get3A_13 = arith.constant 0 : index
    %get3A_14 = arith.constant 0 : index
    %get3A_15 = vector.load %arg3[%get3A_13, %get3A_14] : memref<1000x128xf32, #tpu.memory_space<vmem>>, vector<1000x128xf32>
    %mul3A_16 = arith.constant 1.000000e+00 : f32
    %mul3A_17 = vector.broadcast %mul3A_16 : f32 to vector<1000x128xf32>
    %mul3A_18 = arith.mulf %mul3A_17, %get3A_15 : vector<1000x128xf32>
    %add3A_19 = arith.addf %mul3A_12, %mul3A_18 : vector<1000x128xf32>
    %get3A_20 = arith.constant 0 : index
    %get3A_21 = arith.constant 0 : index
    %get3A_22 = vector.load %arg4[%get3A_20, %get3A_21] : memref<128x128xf32, #tpu.memory_space<vmem>>, vector<128x128xf32>
    %dot_general3A = arith.constant dense<0.000000e+00> : vector<1000x128xf32>
    %dot_general3A_23 = tpu.matmul %add3A_19, %get3A_22, %dot_general3A {dimension_numbers = #tpu.dot_dimension_numbers<[1], [0], [0], [1], [0, 0, 1, 1], [], []>, transpose_lhs_hint = false} : vector<1000x128xf32>, vector<128x128xf32>, vector<1000x128xf32> -> vector<1000x128xf32>
    %max3A = arith.constant 0.000000e+00 : f32
    %max3A_24 = vector.broadcast %max3A : f32 to vector<1000x128xf32>
    %max3A_25 = arith.maximumf %dot_general3A_23, %max3A_24 : vector<1000x128xf32>
    %get3A_26 = arith.constant 0 : index
    %get3A_27 = arith.constant 0 : index
    %get3A_28 = vector.load %arg5[%get3A_26, %get3A_27] : memref<128x64xf32, #tpu.memory_space<vmem>>, vector<128x64xf32>
    %dot_general3A_29 = arith.constant dense<0.000000e+00> : vector<1000x64xf32>
    %dot_general3A_30 = tpu.matmul %max3A_25, %get3A_28, %dot_general3A_29 {dimension_numbers = #tpu.dot_dimension_numbers<[1], [0], [0], [1], [0, 0, 1, 1], [], []>, transpose_lhs_hint = false} : vector<1000x128xf32>, vector<128x64xf32>, vector<1000x64xf32> -> vector<1000x64xf32>
    %get3A_31 = arith.constant 0 : index
    %get3A_32 = arith.constant 0 : index
    %get3A_33 = vector.load %arg6[%get3A_31, %get3A_32] : memref<1x64xf32, #tpu.memory_space<vmem>>, vector<1x64xf32>
    %add3A_34 = vector.broadcast %get3A_33 : vector<1x64xf32> to vector<1000x64xf32>
    %add3A_35 = arith.addf %dot_general3A_30, %add3A_34 : vector<1000x64xf32>
    %swap3A = arith.constant 0 : index
    %swap3A_36 = arith.constant 0 : index
    %swap3A_37 = vector.load %arg7[%swap3A, %swap3A_36] : memref<1000x64xf32, #tpu.memory_space<vmem>>, vector<1000x64xf32>
    tpu.vector_store %arg7[%swap3A, %swap3A_36], %add3A_35 {strides = array<i32>} : memref<1000x64xf32, #tpu.memory_space<vmem>>, vector<1000x64xf32>,
    return
  }
  func.func @transform_0(%arg0: i32) -> (i32, i32, i32) {
    %c0_i32 = arith.constant 0 : i32
    %c0_i32_0 = arith.constant 0 : i32
    %c0_i32_1 = arith.constant 0 : i32
    return %c0_i32, %arg0, %c0_i32_0 : i32, i32, i32
  }
  func.func @transform_1(%arg0: i32) -> (i32, i32) {
    %c0_i32 = arith.constant 0 : i32
    %c0_i32_0 = arith.constant 0 : i32
    return %arg0, %c0_i32 : i32, i32
  }
  func.func @transform_2(%arg0: i32) -> (i32, i32) {
    %c0_i32 = arith.constant 0 : i32
    %c0_i32_0 = arith.constant 0 : i32
    return %arg0, %c0_i32 : i32, i32
  }
  func.func @transform_3(%arg0: i32) -> (i32, i32) {
    %c0_i32 = arith.constant 0 : i32
    %c0_i32_0 = arith.constant 0 : i32
    %c0_i32_1 = arith.constant 0 : i32
    return %c0_i32, %c0_i32_0 : i32, i32
  }
  func.func @transform_4(%arg0: i32) -> (i32, i32) {
    %c0_i32 = arith.constant 0 : i32
    %c0_i32_0 = arith.constant 0 : i32
    %c0_i32_1 = arith.constant 0 : i32
    return %c0_i32, %c0_i32_0 : i32, i32
  }
  func.func @transform_5(%arg0: i32) -> (i32, i32) {
    %c0_i32 = arith.constant 0 : i32
    %c0_i32_0 = arith.constant 0 : i32
    %c0_i32_1 = arith.constant 0 : i32
    return %c0_i32, %c0_i32_0 : i32, i32
  }
  func.func @transform_6(%arg0: i32) -> (i32, i32) {
    %c0_i32 = arith.constant 0 : i32
    %c0_i32_0 = arith.constant 0 : i32
    return %arg0, %c0_i32 : i32, i32
  }
}

</mosaic_0001>

<sc_bundles>
// kernel: kernel.11.cloned.1.call-start
scs
__scs_entry_jumppad:
0x0: {  	(pc) =	sbr.rel $0x88, $3  }
0x1: {  	(tag) =	ssettag $0x0;
	lr =	simm.s32 $0x1  }
0x2: {  	[smem:$0x3F99] =	sst lr;
	_ =	strace $0xD0000000  }
0x3: {  	_ = 	snop  }
0x4: {  	_ = 	snop  }
0x5: {  	_ = 	snop  }
0x6: {  	_ = 	snop  }
0x7: {  	_ = 	snop  }
__scs_overlays_trampoline_lowered:
0x8: {  	[smem:$0x3FA8] =	sst s0  }
0x9: {  	[smem:$0x3FA9] =	sst s1  }
0xa: {  	[smem:$0x3FAA] =	sst s2  }
0xb: {  	[smem:$0x3FAB] =	sst s3  }
0xc: {  	[smem:$0x3FAC] =	sst s4  }
0xd: {  	[smem:$0x3FAD] =	sst s5  }
0xe: {  	[smem:$0x3FAE] =	sst s6  }
0xf: {  	[smem:$0x3FAF] =	sst s7  }
0x10: {  	[smem:$0x3FB0] =	sst s8  }
0x11: {  	[smem:$0x3FB1] =	sst s9;
	s0 =	simm.s32 @!p0 $0x0  }
0x12: {  	s1 =	sld [smem:$0x3F97];
	s0 =	simm.s32 @p0 $0x1  }
0x13: {  	[smem:$0x3FB2] =	sst s0;
	s0 =	simm.s32 @!p1 $0x0  }
0x14: {  	s2 =	sld [smem:$0x3F96];
	s0 =	simm.s32 @p1 $0x1  }
0x15: {  	[smem:$0x3FB3] =	sst s0;
	s0 =	simm.s32 @!p2 $0x0  }
0x16: {  	s3 =	sld [smem:$0x3FDB];
	s0 =	simm.s32 @p2 $0x1  }
0x17: {  	s4 =	simm.s32 $0x1BF5;
	[smem:$0x3FB5] =	sst s0  }
0x18: {  	s0 =	sld [smem:$0x3F98];
	_ =	swait.ge [sflag:s4], $0x0  }
0x19: {  	s7 =	sld [smem:$0x3F99]  }
0x1a: {  	s8 =	sadd.s32 $0xFFFFE003, lr  }
0x1b: {  	s9 =	sadd.s32 $0xFFFFFEF7, lr;
	s5 =	simm.s32 $0xFFFFFFFF;
	p2 =	slt.u32 s8, $0xFFFFF086  }
0x1c: {  	p1 =	slt.u32 s9, $0xF7A;
	s5 =	simm.s32 @!p2 $0x0  }
0x1d: {  	s5 =	simm.s32 @p1 $0x1;
	p0 =	seq.s32 s7, s2  }
0x1e: {  	s7 =	smul.u32 @!p0 $0xF7A, s2;
	p2 =	seq.s32 @!p0 s5, $0x0  }
0x1f: {  	s9 =	smul.u32 $0xF7A, s1;
	s8 =	simm.s32 @!p0 $0x1BF5;
	p2 =	por !p2, p0  }
0x20: {  	[sflag:s8] =	ssyncset.s32 @!p0 $0xFFFFF086;
	s6 =	sadd.s32 @!p0 s3, s7;
	s7 =	simm.s32 @!p0 $0x108  }
0x21: {  	s3 =	sadd.s32 s3, s9;
	s6 =	sadd.s32 @!p0 $0x88, s6;
	s7 =	simm.s32 @p2 $0x1082  }
0x22: {  	[simem:s7], [sflag:s8] =	dma.local @!p0 [hbm:s6], $0xF7A  }
0x23: {  	s9 =	sor.u32 $0xD0000000, s2;
	s6 =	simm.s32 $0x108;
	_ =	swait.ge @!p0 [sflag:s8], $0x0  }
0x24: {  	s3 =	sadd.s32 $0x88, s3;
	s6 =	simm.s32 @!p1 $0x1082;
	[sflag:s4] =	ssyncset.s32 $0xFFFFF086  }
0x25: {  	[simem:s6], [sflag:s4] =	dma.local [hbm:s3], $0xF7A  }
0x26: {  	[smem:$0x3F99] =	sst s1;
	(tag) =	ssettag s2;
	_ =	strace s9  }
0x27: {  	s1 =	sld [smem:$0x3FA9]  }
0x28: {  	s2 =	sld [smem:$0x3FAA]  }
0x29: {  	s4 =	sld [smem:$0x3FAC]  }
0x2a: {  	p0 =	seq.s32 s5, $0x0;
	s5 =	sld [smem:$0x3FAD]  }
0x2b: {  	s6 =	sld [smem:$0x3FAE]  }
0x2c: {  	s7 =	sld [smem:$0x3FAF]  }
0x2d: {  	s3 =	simm.s32 $0x108;
	s8 =	sld [smem:$0x3FB0]  }
0x2e: {  	s3 =	simm.s32 @!p0 $0x1082;
	s9 =	sld [smem:$0x3FB1]  }
0x2f: {  	lr =	sadd.s32 s0, s3;
	s0 =	sld [smem:$0x3FA8]  }
0x30: {  	s3 =	sld [smem:$0x3FAB]  }
0x31: {  	[smem:$0x3FB4] =	sst s10  }
0x32: {  	s10 =	sld [smem:$0x3FB2];
	_ =	sdelay $0x3  }
0x33: {  	p0 =	seq.s32 s10, $0x1;
	s10 =	sld [smem:$0x3FB4];
	_ =	sdelay $0x3  }
0x34: {  	[smem:$0x3FB4] =	sst s10  }
0x35: {  	s10 =	sld [smem:$0x3FB3];
	_ =	sdelay $0x3  }
0x36: {  	p1 =	seq.s32 s10, $0x1;
	s10 =	sld [smem:$0x3FB4];
	_ =	sdelay $0x3  }
0x37: {  	[smem:$0x3FB4] =	sst s10  }
0x38: {  	s10 =	sld [smem:$0x3FB5]  }
0x39: {  	_ = 	snop;
	(pc) =	sbr.ind lr, $3  }
0x3a: {  	_ = 	snop  }
0x3b: {  	_ = 	snop  }
0x3c: {  	p2 =	seq.s32 s10, $0x1;
	s10 =	sld [smem:$0x3FB4]  }
0x3d: {  	_ =	shalt  }
0x3e: {  	_ =	shalt  }
0x3f: {  	_ =	shalt  }
0x40: {  	_ =	shalt  }
0x41: {  	_ =	shalt  }
0x42: {  	_ =	shalt  }
0x43: {  	_ =	shalt  }
0x44: {  	_ =	shalt  }
0x45: {  	_ =	shalt  }
0x46: {  	_ =	shalt  }
0x47: {  	_ =	shalt  }
0x48: {  	_ =	shalt  }
0x49: {  	_ =	shalt  }
0x4a: {  	_ =	shalt  }
0x4b: {  	_ =	shalt  }
0x4c: {  	_ =	shalt  }
0x4d: {  	_ =	shalt  }
0x4e: {  	_ =	shalt  }
0x4f: {  	_ =	shalt  }
0x50: {  	_ =	shalt  }
0x51: {  	_ =	shalt  }
0x52: {  	_ =	shalt  }
0x53: {  	_ =	shalt  }
0x54: {  	_ =	shalt  }
0x55: {  	_ =	shalt  }
0x56: {  	_ =	shalt  }
0x57: {  	_ =	shalt  }
0x58: {  	_ =	shalt  }
0x59: {  	_ =	shalt  }
0x5a: {  	_ =	shalt  }
0x5b: {  	_ =	shalt  }
0x5c: {  	_ =	shalt  }
0x5d: {  	_ =	shalt  }
0x5e: {  	_ =	shalt  }
0x5f: {  	_ =	shalt  }
0x60: {  	_ =	shalt  }
0x61: {  	_ =	shalt  }
0x62: {  	_ =	shalt  }
0x63: {  	_ =	shalt  }
0x64: {  	_ =	shalt  }
0x65: {  	_ =	shalt  }
0x66: {  	_ =	shalt  }
0x67: {  	_ =	shalt  }
0x68: {  	_ =	shalt  }
0x69: {  	_ =	shalt  }
0x6a: {  	_ =	shalt  }
0x6b: {  	_ =	shalt  }
0x6c: {  	_ =	shalt  }
0x6d: {  	_ =	shalt  }
0x6e: {  	_ =	shalt  }
0x6f: {  	_ =	shalt  }
0x70: {  	_ =	shalt  }
0x71: {  	_ =	shalt  }
0x72: {  	_ =	shalt  }
0x73: {  	_ =	shalt  }
0x74: {  	_ =	shalt  }
0x75: {  	_ =	shalt  }
0x76: {  	_ =	shalt  }
0x77: {  	_ =	shalt  }
0x78: {  	_ =	shalt  }
0x79: {  	_ =	shalt  }
0x7a: {  	_ =	shalt  }
0x7b: {  	_ =	shalt  }
0x7c: {  	_ =	shalt  }
0x7d: {  	_ =	shalt  }
0x7e: {  	_ =	shalt  }
0x7f: {  	_ =	shalt  }
0x80: {  	_ =	shalt  }
0x81: {  	_ =	shalt  }
0x82: {  	_ =	shalt  }
0x83: {  	_ =	shalt  }
0x84: {  	_ =	shalt  }
0x85: {  	_ =	shalt  }
0x86: {  	_ =	shalt  }
0x87: {  	_ =	shalt  }
.Lfunc_end0:
.L_simem_size_0:
called_computation.1_lowered:
.L_overlay_start_0:
0x88: {  	s2 =	sld [smem:$0x3FD9]  }
0x89: {  	s3 =	sld [smem:$0x3FFE];
	_ =	sdelay $0x1  }
0x8a: {  	s1 =	srdreg.scid  }
0x8b: {  	s0 =	sand.u32 $0x1, s1  }
0x8c: {  	s17 =	sshll.u32 s0, $0xA;
	s2 =	sadd.s32 s3, s2  }
0x8d: {  	s2 =	sadd.s32 s2, s17  }
0x8e: {  	[smem:$0x3FC0] =	sst s2  }
0x8f: {  	_ = 	snop  }
0x90: {  	s2 =	sld [smem:$0x3FD0];
	(tm) =	ssettm $0x1  }
0x91: {  	s18 =	sld [smem:$0x3FFB];
	_ =	sdelay $0x3  }
0x92: {  	_ =	strace s18  }
0x93: {  	s3 =	sld [smem:$0x3FFC];
	_ =	sdelay $0x3  }
0x94: {  	_ =	strace s3  }
0x95: {  	s3 =	sld [smem:$0x3FFD];
	_ =	sdelay $0x3  }
0x96: {  	_ =	strace s3  }
0x97: {  	_ =	strace $0x8FFFFFFF  }
0x98: {  	s19 =	sld [smem:$0x3FDB];
	_ =	sdelay $0x1  }
0x99: {  	s4 =	simm.s32 $_scs_section_size  }
0x9a: {  	s5 =	simm.s32 $_size__tile_overlayer_lowered;
	s6 =	simm.s32 $_tile_overlayer_lowered  }
0x9b: {  	s22 =	simm.s32 $0x1BFF;
	s21 =	sshll.u32 s6, $0x1;
	s3 =	sadd.s32 s4, s19  }
0x9c: {  	s7 =	simm.s32 $0x0;
	s20 =	sshll.u32 s5, $0x1;
	s5 =	sadd.s32 s21, s3  }
0x9d: {  	[timem:s7], [sflag:s22] =	dma.local [hbm:s5], s20  }
0x9e: {  	_ =	swait.ge [sflag:s22], s20  }
0x9f: {  	s4 =	ssub.s32 $0x0, s20;
	[sflag:s22] =	ssyncset.done $0x0  }
0xa0: {  	[sflag:s22] =	ssyncadd.s32 s4;
	_ =	sdelay $0x1  }
0xa1: {  	s23 =	simm.s32 $0x1B8B  }
0xa2: {  	_ =	swait.ge [sflag:s23], $0x1  }
0xa3: {  	[sflag:s23] =	ssyncset.done $0x0  }
0xa4: {  	s25 =	simm.s32 $0x1B8E;
	s24 =	sld [smem:$0x3FFE];
	[sflag:s23] =	ssyncadd.s32 $0xFFFFFFFF  }
0xa5: {  	s26 =	simm.s32 $execute0_lowered;
	[smem:$0x3FD2] =	sst s25  }
0xa6: {  	s5 =	sshll.u32 s26, $0x1;
	_ =	strace $0x80000049;
	[dreg:$0x1] =	wrdreg $0xFFFFFFFF  }
0xa7: {  	s28 =	simm.s32 $_size_execute0_lowered;
	s3 =	sadd.s32 s3, s5;
	[dreg:$0x0] =	wrdreg $0x0  }
0xa8: {  	s5 =	sshll.u32 s28, $0x1;
	[dreg:$0x2] =	wrdreg s3  }
0xa9: {  	[dreg:$0x3] =	wrdreg s5  }
0xaa: {  	[dreg:$0x4] =	wrdreg $0xC0  }
0xab: {  	_ =	task [dreg:s7], $0x5FFFF  }
0xac: {  	[dreg:$0x1] =	wrdreg $0xFFFFFFFF  }
0xad: {  	[dreg:$0x0] =	wrdreg $0x60  }
0xae: {  	[dreg:$0x2] =	wrdreg s24  }
0xaf: {  	[dreg:$0x3] =	wrdreg s2  }
0xb0: {  	[dreg:$0x4] =	wrdreg $0x69000  }
0xb1: {  	[dreg:$0x5] =	wrdreg $0x9  }
0xb2: {  	_ =	task.clear_ibuf [dreg:s7], $0x6FFFF;
	_ =	strace $0x90000049  }
0xb3: {  	s29 =	simm.s32 $0x9;
	_ =	strace $0x8000004B  }
0xb4: {  	_ =	swait.ge [sflag:s29], $0x1  }
0xb5: {  	[sflag:s29] =	ssyncadd.s32 $0xFFFFFFFF  }
0xb6: {  	_ =	strace $0x9000004B  }
0xb7: {  	_ =	sfence  }
0xb8: {  	s30 =	sld [smem:$0x0];
	_ =	sdelay $0x2  }
0xb9: {  	s31 =	sshll.u32 s1, $0xD;
	s1 =	sshrl.u32 s1, $0x2  }
0xba: {  	s3 =	sand.u32 $0x4000, s31;
	s1 =	sadd.s32 s1, s30  }
0xbb: {  	s0 =	sor.u32 s3, s0;
	s1 =	sshll.u32 s1, $0x11  }
0xbc: {  	s0 =	sor.u32 s1, s0  }
0xbd: {  	s0 =	sadd.s32 $0x8F2B, s0  }
0xbe: {  	[sflag:s0] =	ssyncadd.remote.s32 $0x1  }
0xbf: {  	_ =	sfence.sel $0xFFFF  }
0xc0: {  	[dreg:$0x0] =	wrdreg $0xFFFFFFFF;
	(pc) =	sbr.abs _section_cstart, $3  }
0xc1: {  	[dreg:$0x1] =	wrdreg $0xFFFFFFFF  }
0xc2: {  	_ =	task.clear_ibuf [dreg:s7], $0x2FFFF;
	_ =	strace $0x9FFFFFFF  }
0xc3: {  	(tm) =	ssettm $0x7FFFFFFF  }
tec
execute0_lowered:
.L_overlay_start_1:
0x0: {  	(tag) =	ssettag $0x1  }
0x1: {  	s1 =	rddreg [dreg:$0x0]  }
0x2: {  	s17 =	rddreg [dreg:$0x1]  }
0x3: {  	s3 =	srdreg.scid;
	s0 =	stileid.u32  }
0x4: {  	s2 =	rddreg [dreg:$0x2];
	s7 =	smul.u32 $0x50000, s0  }
0x5: {  	s28 =	simm.s32 $0x1;
	s5 =	sand.u32 $0x1, s3;
	s15 =	smul.u32 $0x14000, s0  }
0x6: {  	s29 =	simm.s32 $0x0;
	s3 =	simm.s32 $0x0;
	s6 =	smul.u32 $0x2710, s5  }
0x7: {  	[smem:$0x7FF] =	sst s3;
	s14 =	smul.u32 $0x140000, s5;
	s5 =	ssub.s32 $0x2, s5  }
0x8: {  	s4 =	smul.u32 $0x4E20, s0;
	_ =	strace $0x8000004A;
	s26 =	sshrl.u32 s5, $0x1  }
0x9: {  	s7 =	sshrl.u32 s7, $0x2;
	s13 =	sadd.s32 $0x4000, s15;
	s19 =	sadd.s32 $0x8000, s15  }
0xa: {  	s23 =	sadd.s32 $0x10000, s15;
	s6 =	sadd.s32 s6, s4;
	s4 =	sadd.s32 $0xBE00, s1  }
0xb: {  	s8 =	sadd.s32 s14, s15;
	s9 =	ssub.s32 s5, s26;
	s5 =	sadd.s32 s7, s2  }
0xc: {  	s11 =	sadd.s32 s14, s13;
	s20 =	sadd.s32 s14, s19;
	s22 =	sadd.s32 s13, s2  }
0xd: {  	s24 =	sadd.s32 s19, s2;
	s26 =	sadd.s32 s14, s23;
	s19 =	simm.s32 $0x2  }
0xe: {  	s18 =	sshrl.u32 s6, $0x3;
	s30 =	sshrl.u32 s8, $0x3;
	s7 =	smax.u32 s9, $0x1  }
0xf: {  	s8 =	sadd.s32 $0x4000, s5;
	s9 =	sadd.s32 $0x8000, s5;
	s10 =	sadd.s32 $0xC000, s5  }
0x10: {  	s12 =	sshrl.u32 s11, $0x3;
	s11 =	sadd.s32 $0x10000, s5;
	s0 =	sshrl.u32 s20, $0x3  }
0x11: {  	s6 =	sadd.s32 $0xC000, s15;
	s20 =	simm.s32 $0x80;
	s22 =	sshrl.u32 s22, $0x3  }
0x12: {  	s16 =	sadd.s32 s18, s1;
	s1 =	sadd.s32 $0x33000, s1;
	s21 =	sadd.s32 s14, s6  }
0x13: {  	s17 =	sadd.s32 s18, s17;
	s18 =	simm.s32 $0x2900;
	s31 =	sadd.s32 s1, s30  }
0x14: {  	s12 =	sadd.s32 s1, s12;
	s13 =	sadd.s32 s1, s0;
	s25 =	sshrl.u32 s21, $0x3  }
0x15: {  	s30 =	sshrl.u32 s26, $0x3;
	s16 =	sadd.s32 $0x2000, s16;
	s21 =	simm.s32 $0x50  }
0x16: {  	s26 =	simm.s32 $0x100;
	[dreg:$0x4] =	wrdreg s31;
	s14 =	sadd.s32 s1, s25  }
0x17: {  	s25 =	sadd.s32 s6, s2;
	s15 =	sadd.s32 s1, s30;
	s31 =	sadd.s32 s23, s2  }
0x18: {  	v0 =	vimm.f32 $0.0e+00;
	s23 =	sshrl.u32 s24, $0x3;
	s24 =	sshrl.u32 s25, $0x3;
	s25 =	sshrl.u32 s31, $0x3  }
.LBB2_1:
0x19: {  	s1 =	sand.u32 $0xFE00, s3  }
0x1a: {  	s31 =	sand.u32 $0x70, s3;
	s1 =	sshrl.u32 s1, $0x2  }
0x1b: {  	s30 =	simm.s32 $0x40;
	s1 =	sor.u32 s31, s1;
	s31 =	simm.s32 $0x0  }
.LBB2_2:
0x1c: {  	p0 =	sne.s32 s30, $0xFFC0  }
0x1d: {  	[tilespmem:s1+$0x2900] =	vst v0;
	s31 =	sadd.s32 $0x10, s31;
	s1 =	smov.u32 s30;
	s30 =	sadd.s32 $0x40, s30  }
.Ltmp0:
0x1e: {  	(pc) =	sbr.rel @p0 .LBB2_2-.Ltmp0, $4  }
0x1f: {  	_ = 	snop  }
0x20: {  	s1 =	sand.u32 $0xFE00, s1  }
0x21: {  	s0 =	sand.u32 $0x70, s31;
	s1 =	sshrl.u32 s1, $0x2  }
0x22: {  	s1 =	sor.u32 s0, s1  }
0x23: {  	[tilespmem:s1+$0x2900] =	vst v0  }
0x24: {  	[spmem:s5] =	stream.linear.scatter [tilespmem:s18], [sflag:$0x2], $0x4000, $0x38;
	[tilespmem:$0x1A900] =	vst v63  }
0x25: {  	_ =	swait.ge [sflag:s19], $0x4000  }
0x26: {  	[sflag:s19] =	ssyncset.done $0x0  }
0x27: {  	[sflag:s19] =	ssyncadd.s32 $0xFFFFC000  }
0x28: {  	[spmem:s8] =	stream.linear.scatter [tilespmem:s18], [sflag:$0x2], $0x4000, $0x38;
	[tilespmem:$0x1A900] =	vst v63  }
0x29: {  	_ =	swait.ge [sflag:s19], $0x4000  }
0x2a: {  	[sflag:s19] =	ssyncset.done $0x0  }
0x2b: {  	[sflag:s19] =	ssyncadd.s32 $0xFFFFC000  }
0x2c: {  	[spmem:s9] =	stream.linear.scatter [tilespmem:s18], [sflag:$0x2], $0x4000, $0x38;
	[tilespmem:$0x1A900] =	vst v63  }
0x2d: {  	_ =	swait.ge [sflag:s19], $0x4000  }
0x2e: {  	[sflag:s19] =	ssyncset.done $0x0  }
0x2f: {  	[sflag:s19] =	ssyncadd.s32 $0xFFFFC000  }
0x30: {  	[spmem:s10] =	stream.linear.scatter [tilespmem:s18], [sflag:$0x2], $0x4000, $0x38;
	[tilespmem:$0x1A900] =	vst v63  }
0x31: {  	_ =	swait.ge [sflag:s19], $0x4000  }
0x32: {  	[sflag:s19] =	ssyncset.done $0x0  }
0x33: {  	[sflag:s19] =	ssyncadd.s32 $0xFFFFC000  }
0x34: {  	[spmem:s11] =	stream.linear.scatter [tilespmem:s18], [sflag:$0x2], $0x4000, $0x38;
	[tilespmem:$0x1A900] =	vst v63  }
0x35: {  	_ =	swait.ge [sflag:s19], $0x4000  }
0x36: {  	[sflag:s19] =	ssyncset.done $0x0  }
0x37: {  	[sflag:s19] =	ssyncadd.s32 $0xFFFFC000  }
0x38: {  	s0 =	sadd.s32 $0x0, s17;
	[bflag:$0x0] =	sbarrier.arrive $0xFFFF  }
0x39: {  	[tilespmem:s3], [sflag:$0x2] =	stream.linear.gather [hbm4b:s0+s3], $0x50, $0x38;
	[tilespmem:$0x1A900] =	vst v63  }
0x3a: {  	_ =	swait.ge [sflag:s19], $0x50  }
0x3b: {  	[sflag:s19] =	ssyncset.done $0x0  }
0x3c: {  	s6 =	sadd.s32 $0x0, s16;
	[sflag:s19] =	ssyncadd.s32 $0xFFFFFFB0  }
0x3d: {  	[tilespmem:s20], [sflag:$0x2] =	stream.linear.gather [hbm4b:s6+s3], $0x50, $0x38;
	[tilespmem:$0x1A900] =	vst v63  }
0x3e: {  	_ =	swait.ge [sflag:s19], $0x50  }
0x3f: {  	[sflag:s19] =	ssyncset.done $0x0  }
0x40: {  	[sflag:s19] =	ssyncadd.s32 $0xFFFFFFB0  }
0x41: {  	[tilespmem:s26], [sflag:$0x1] =	stream.indirect.gather [hbm4b:s4+s21], $0x80, s3, s21, $0xb8;
	[tilespmem:$0x1A900] =	vst v63  }
0x42: {  	_ =	swait.ge [sflag:s28], $0x2800  }
0x43: {  	[sflag:s28] =	ssyncset.done $0x0  }
0x44: {  	[sflag:s28] =	ssyncadd.s32 $0xFFFFD800  }
0x45: {  	[spmem:s2] =	stream.indirect.scatter.add.f32 [tilespmem:s26], [sflag:$0x2], $0x80, s20, s21, $0xb8;
	[tilespmem:$0x1A900] =	vst v63  }
0x46: {  	_ =	swait.ge [sflag:s19], $0x2800  }
0x47: {  	s30 =	simm.s32 $0xA;
	s31 =	simm.s32 $0x14;
	[sflag:s19] =	ssyncset.done $0x0  }
.LBB2_4:
0x48: {  	s0 =	sadd.s32 s30, s17  }
0x49: {  	[sflag:s19] =	ssyncadd.s32 $0xFFFFD800;
	s1 =	smov.u32 s31;
	s6 =	sadd.s32 $0xA, s31  }
0x4a: {  	[tilespmem:s3], [sflag:$0x2] =	stream.linear.gather [hbm4b:s0+s3], $0x50, $0x38;
	[tilespmem:$0x1A900] =	vst v63  }
0x4b: {  	p0 =	sne.s32 s31, $0x4D8;
	_ =	swait.ge [sflag:s19], $0x50  }
0x4c: {  	[sflag:s19] =	ssyncset.done $0x0  }
0x4d: {  	s0 =	sadd.s32 s30, s16;
	s30 =	smov.u32 s1;
	[sflag:s19] =	ssyncadd.s32 $0xFFFFFFB0  }
0x4e: {  	[tilespmem:s20], [sflag:$0x2] =	stream.linear.gather [hbm4b:s0+s3], $0x50, $0x38;
	[tilespmem:$0x1A900] =	vst v63  }
0x4f: {  	_ =	swait.ge [sflag:s19], $0x50  }
0x50: {  	[sflag:s19] =	ssyncset.done $0x0  }
0x51: {  	[sflag:s19] =	ssyncadd.s32 $0xFFFFFFB0  }
0x52: {  	[tilespmem:s26], [sflag:$0x1] =	stream.indirect.gather [hbm4b:s4+s21], $0x80, s3, s21, $0xb8;
	[tilespmem:$0x1A900] =	vst v63  }
0x53: {  	_ =	swait.ge [sflag:s28], $0x2800  }
.Ltmp1:
0x54: {  	[sflag:s28] =	ssyncset.done $0x0;
	(pc) =	sbr.rel @p0 .LBB2_4-.Ltmp1, $4  }
0x55: {  	[sflag:s28] =	ssyncadd.s32 $0xFFFFD800  }
0x56: {  	[spmem:s2] =	stream.indirect.scatter.add.f32 [tilespmem:s26], [sflag:$0x2], $0x80, s20, s21, $0xb8;
	[tilespmem:$0x1A900] =	vst v63  }
0x57: {  	_ =	swait.ge [sflag:s19], $0x2800  }
0x58: {  	s31 =	smov.u32 s6;
	[sflag:s19] =	ssyncset.done $0x0  }
0x59: {  	s0 =	sadd.s32 s30, s17;
	[sflag:s19] =	ssyncadd.s32 $0xFFFFD800  }
0x5a: {  	[tilespmem:s3], [sflag:$0x2] =	stream.linear.gather [hbm4b:s0+s3], $0x50, $0x38;
	[tilespmem:$0x1A900] =	vst v63  }
0x5b: {  	_ =	swait.ge [sflag:s19], $0x50  }
0x5c: {  	[sflag:s19] =	ssyncset.done $0x0  }
0x5d: {  	s30 =	sadd.s32 s30, s16;
	[sflag:s19] =	ssyncadd.s32 $0xFFFFFFB0  }
0x5e: {  	[tilespmem:s20], [sflag:$0x2] =	stream.linear.gather [hbm4b:s30+s3], $0x50, $0x38;
	[tilespmem:$0x1A900] =	vst v63  }
0x5f: {  	_ =	swait.ge [sflag:s19], $0x50  }
0x60: {  	[sflag:s19] =	ssyncset.done $0x0  }
0x61: {  	[sflag:s19] =	ssyncadd.s32 $0xFFFFFFB0  }
0x62: {  	[tilespmem:s26], [sflag:$0x1] =	stream.indirect.gather [hbm4b:s4+s21], $0x80, s3, s21, $0xb8;
	[tilespmem:$0x1A900] =	vst v63  }
0x63: {  	_ =	swait.ge [sflag:s28], $0x2800  }
0x64: {  	[sflag:s28] =	ssyncset.done $0x0  }
0x65: {  	[sflag:s28] =	ssyncadd.s32 $0xFFFFD800  }
0x66: {  	[spmem:s2] =	stream.indirect.scatter.add.f32 [tilespmem:s26], [sflag:$0x2], $0x80, s20, s21, $0xb8;
	[tilespmem:$0x1A900] =	vst v63  }
0x67: {  	_ =	swait.ge [sflag:s19], $0x2800  }
0x68: {  	[sflag:s19] =	ssyncset.done $0x0  }
0x69: {  	s31 =	stileid.u32;
	[sflag:s19] =	ssyncadd.s32 $0xFFFFD800  }
0x6a: {  	s0 =	sshll.u32 s31, $0x6;
	[bflag:$0x0] =	sbarrier.arrive $0xFFFF  }
0x6b: {  	s1 =	sshrl.u32 s5, $0x3;
	s0 =	sor.u32 $0x1C02, s0;
	s6 =	rddreg [dreg:$0x4]  }
0x6c: {  	[hbm:s6], [sflag:s0] =	dma.local [spmem:s1], $0x800  }
0x6d: {  	_ =	swait.ge [sflag:s19], $0x800  }
0x6e: {  	[sflag:s19] =	ssyncset.done $0x0  }
0x6f: {  	[sflag:s19] =	ssyncadd.s32 $0xFFFFF800  }
0x70: {  	[hbm:s12], [sflag:s0] =	dma.local [spmem:s22], $0x800  }
0x71: {  	_ =	swait.ge [sflag:s19], $0x800  }
0x72: {  	[sflag:s19] =	ssyncset.done $0x0  }
0x73: {  	[sflag:s19] =	ssyncadd.s32 $0xFFFFF800  }
0x74: {  	[hbm:s13], [sflag:s0] =	dma.local [spmem:s23], $0x800  }
0x75: {  	_ =	swait.ge [sflag:s19], $0x800  }
0x76: {  	[sflag:s19] =	ssyncset.done $0x0  }
0x77: {  	[sflag:s19] =	ssyncadd.s32 $0xFFFFF800  }
0x78: {  	[hbm:s14], [sflag:s0] =	dma.local [spmem:s24], $0x800  }
0x79: {  	s29 =	sadd.s32 $0x1, s29;
	_ =	swait.ge [sflag:s19], $0x800  }
0x7a: {  	p0 =	sne.s32 s29, s7;
	[sflag:s19] =	ssyncset.done $0x0  }
.Ltmp2:
0x7b: {  	[sflag:s19] =	ssyncadd.s32 $0xFFFFF800;
	(pc) =	sbr.rel @p0 .LBB2_1-.Ltmp2, $4  }
0x7c: {  	[hbm:s15], [sflag:s0] =	dma.local [spmem:s25], $0x800  }
0x7d: {  	_ =	swait.ge [sflag:s19], $0x800  }
0x7e: {  	[sflag:s19] =	ssyncset.done $0x0  }
0x7f: {  	[sflag:s19] =	ssyncadd.s32 $0xFFFFF800  }
0x80: {  	_ =	sfence.sel $0x180000  }
0x81: {  	[bflag:$0x0] =	sbarrier.arrive $0xFFFF  }
0x82: {  	_ =	strace $0x9000004A  }
0x83: {  	s0 =	stileid.u32;
	[bflag:$0x2] =	sbarrier.arrive $0xFFFF  }
0x84: {  	p0 =	sne.s32 s0, $0x0;
	s0 =	rddreg [dreg:$0x3]  }
0x85: {  	s0 =	sadd.s32 @!p0 $0x100000, s0  }
0x86: {  	[sflag:s0] =	ssyncadd.tile.s32 @!p0 $0x1;
	_ =	shalt  }
.Lfunc_end2:
_tile_overlayer_lowered:
.L_overlay_start_2:
0x87: {  	(tag) =	ssettag $0x2  }
0x88: {  	s0 =	rddreg [dreg:$0x0];
	s2 =	stileid.u32  }
0x89: {  	s1 =	rddreg [dreg:$0x1];
	p0 =	sne.s32 s2, $0x0  }
0x8a: {  	s3 =	rddreg [dreg:$0x2];
	[bflag:$0x3] =	sbarrier.arrive $0xFFFF;
	s2 =	simm.s32 @!p0 $0x1C02  }
0x8b: {  	[timem:s3], [sflag:s2] =	dma.local @!p0 [hbm:s0], s1  }
0x8c: {  	s0 =	simm.s32 @!p0 $0x2  }
0x8d: {  	_ =	swait.ge @!p0 [sflag:s0], s1  }
0x8e: {  	s1 =	ssub.s32 @!p0 $0x0, s1;
	[sflag:s0] =	ssyncset.done @!p0 $0x0  }
0x8f: {  	[sflag:s0] =	ssyncadd.s32 @!p0 s1  }
0x90: {  	[bflag:$0x3] =	sbarrier.arrive $0xFFFF  }
0x91: {  	_ =	shalt  }

// kernel: kernel.14.cloned.1.call-start
scs
__scs_entry_jumppad:
0x0: {  	(pc) =	sbr.rel $0x88, $3  }
0x1: {  	(tag) =	ssettag $0x0;
	lr =	simm.s32 $0x1  }
0x2: {  	[smem:$0x3F99] =	sst lr;
	_ =	strace $0xD0000000  }
0x3: {  	_ = 	snop  }
0x4: {  	_ = 	snop  }
0x5: {  	_ = 	snop  }
0x6: {  	_ = 	snop  }
0x7: {  	_ = 	snop  }
__scs_overlays_trampoline_lowered:
0x8: {  	[smem:$0x3FA8] =	sst s0  }
0x9: {  	[smem:$0x3FA9] =	sst s1  }
0xa: {  	[smem:$0x3FAA] =	sst s2  }
0xb: {  	[smem:$0x3FAB] =	sst s3  }
0xc: {  	[smem:$0x3FAC] =	sst s4  }
0xd: {  	[smem:$0x3FAD] =	sst s5  }
0xe: {  	[smem:$0x3FAE] =	sst s6  }
0xf: {  	[smem:$0x3FAF] =	sst s7  }
0x10: {  	[smem:$0x3FB0] =	sst s8  }
0x11: {  	[smem:$0x3FB1] =	sst s9;
	s0 =	simm.s32 @!p0 $0x0  }
0x12: {  	s1 =	sld [smem:$0x3F97];
	s0 =	simm.s32 @p0 $0x1  }
0x13: {  	[smem:$0x3FB2] =	sst s0;
	s0 =	simm.s32 @!p1 $0x0  }
0x14: {  	s2 =	sld [smem:$0x3F96];
	s0 =	simm.s32 @p1 $0x1  }
0x15: {  	[smem:$0x3FB3] =	sst s0;
	s0 =	simm.s32 @!p2 $0x0  }
0x16: {  	s3 =	sld [smem:$0x3FDB];
	s0 =	simm.s32 @p2 $0x1  }
0x17: {  	s4 =	simm.s32 $0x1BF5;
	[smem:$0x3FB5] =	sst s0  }
0x18: {  	s0 =	sld [smem:$0x3F98];
	_ =	swait.ge [sflag:s4], $0x0  }
0x19: {  	s7 =	sld [smem:$0x3F99]  }
0x1a: {  	s8 =	sadd.s32 $0xFFFFE003, lr  }
0x1b: {  	s9 =	sadd.s32 $0xFFFFFEF7, lr;
	s5 =	simm.s32 $0xFFFFFFFF;
	p2 =	slt.u32 s8, $0xFFFFF086  }
0x1c: {  	p1 =	slt.u32 s9, $0xF7A;
	s5 =	simm.s32 @!p2 $0x0  }
0x1d: {  	s5 =	simm.s32 @p1 $0x1;
	p0 =	seq.s32 s7, s2  }
0x1e: {  	s7 =	smul.u32 @!p0 $0xF7A, s2;
	p2 =	seq.s32 @!p0 s5, $0x0  }
0x1f: {  	s9 =	smul.u32 $0xF7A, s1;
	s8 =	simm.s32 @!p0 $0x1BF5;
	p2 =	por !p2, p0  }
0x20: {  	[sflag:s8] =	ssyncset.s32 @!p0 $0xFFFFF086;
	s6 =	sadd.s32 @!p0 s3, s7;
	s7 =	simm.s32 @!p0 $0x108  }
0x21: {  	s3 =	sadd.s32 s3, s9;
	s6 =	sadd.s32 @!p0 $0x88, s6;
	s7 =	simm.s32 @p2 $0x1082  }
0x22: {  	[simem:s7], [sflag:s8] =	dma.local @!p0 [hbm:s6], $0xF7A  }
0x23: {  	s9 =	sor.u32 $0xD0000000, s2;
	s6 =	simm.s32 $0x108;
	_ =	swait.ge @!p0 [sflag:s8], $0x0  }
0x24: {  	s3 =	sadd.s32 $0x88, s3;
	s6 =	simm.s32 @!p1 $0x1082;
	[sflag:s4] =	ssyncset.s32 $0xFFFFF086  }
0x25: {  	[simem:s6], [sflag:s4] =	dma.local [hbm:s3], $0xF7A  }
0x26: {  	[smem:$0x3F99] =	sst s1;
	(tag) =	ssettag s2;
	_ =	strace s9  }
0x27: {  	s1 =	sld [smem:$0x3FA9]  }
0x28: {  	s2 =	sld [smem:$0x3FAA]  }
0x29: {  	s4 =	sld [smem:$0x3FAC]  }
0x2a: {  	p0 =	seq.s32 s5, $0x0;
	s5 =	sld [smem:$0x3FAD]  }
0x2b: {  	s6 =	sld [smem:$0x3FAE]  }
0x2c: {  	s7 =	sld [smem:$0x3FAF]  }
0x2d: {  	s3 =	simm.s32 $0x108;
	s8 =	sld [smem:$0x3FB0]  }
0x2e: {  	s3 =	simm.s32 @!p0 $0x1082;
	s9 =	sld [smem:$0x3FB1]  }
0x2f: {  	lr =	sadd.s32 s0, s3;
	s0 =	sld [smem:$0x3FA8]  }
0x30: {  	s3 =	sld [smem:$0x3FAB]  }
0x31: {  	[smem:$0x3FB4] =	sst s10  }
0x32: {  	s10 =	sld [smem:$0x3FB2];
	_ =	sdelay $0x3  }
0x33: {  	p0 =	seq.s32 s10, $0x1;
	s10 =	sld [smem:$0x3FB4];
	_ =	sdelay $0x3  }
0x34: {  	[smem:$0x3FB4] =	sst s10  }
0x35: {  	s10 =	sld [smem:$0x3FB3];
	_ =	sdelay $0x3  }
0x36: {  	p1 =	seq.s32 s10, $0x1;
	s10 =	sld [smem:$0x3FB4];
	_ =	sdelay $0x3  }
0x37: {  	[smem:$0x3FB4] =	sst s10  }
0x38: {  	s10 =	sld [smem:$0x3FB5]  }
0x39: {  	_ = 	snop;
	(pc) =	sbr.ind lr, $3  }
0x3a: {  	_ = 	snop  }
0x3b: {  	_ = 	snop  }
0x3c: {  	p2 =	seq.s32 s10, $0x1;
	s10 =	sld [smem:$0x3FB4]  }
0x3d: {  	_ =	shalt  }
0x3e: {  	_ =	shalt  }
0x3f: {  	_ =	shalt  }
0x40: {  	_ =	shalt  }
0x41: {  	_ =	shalt  }
0x42: {  	_ =	shalt  }
0x43: {  	_ =	shalt  }
0x44: {  	_ =	shalt  }
0x45: {  	_ =	shalt  }
0x46: {  	_ =	shalt  }
0x47: {  	_ =	shalt  }
0x48: {  	_ =	shalt  }
0x49: {  	_ =	shalt  }
0x4a: {  	_ =	shalt  }
0x4b: {  	_ =	shalt  }
0x4c: {  	_ =	shalt  }
0x4d: {  	_ =	shalt  }
0x4e: {  	_ =	shalt  }
0x4f: {  	_ =	shalt  }
0x50: {  	_ =	shalt  }
0x51: {  	_ =	shalt  }
0x52: {  	_ =	shalt  }
0x53: {  	_ =	shalt  }
0x54: {  	_ =	shalt  }
0x55: {  	_ =	shalt  }
0x56: {  	_ =	shalt  }
0x57: {  	_ =	shalt  }
0x58: {  	_ =	shalt  }
0x59: {  	_ =	shalt  }
0x5a: {  	_ =	shalt  }
0x5b: {  	_ =	shalt  }
0x5c: {  	_ =	shalt  }
0x5d: {  	_ =	shalt  }
0x5e: {  	_ =	shalt  }
0x5f: {  	_ =	shalt  }
0x60: {  	_ =	shalt  }
0x61: {  	_ =	shalt  }
0x62: {  	_ =	shalt  }
0x63: {  	_ =	shalt  }
0x64: {  	_ =	shalt  }
0x65: {  	_ =	shalt  }
0x66: {  	_ =	shalt  }
0x67: {  	_ =	shalt  }
0x68: {  	_ =	shalt  }
0x69: {  	_ =	shalt  }
0x6a: {  	_ =	shalt  }
0x6b: {  	_ =	shalt  }
0x6c: {  	_ =	shalt  }
0x6d: {  	_ =	shalt  }
0x6e: {  	_ =	shalt  }
0x6f: {  	_ =	shalt  }
0x70: {  	_ =	shalt  }
0x71: {  	_ =	shalt  }
0x72: {  	_ =	shalt  }
0x73: {  	_ =	shalt  }
0x74: {  	_ =	shalt  }
0x75: {  	_ =	shalt  }
0x76: {  	_ =	shalt  }
0x77: {  	_ =	shalt  }
0x78: {  	_ =	shalt  }
0x79: {  	_ =	shalt  }
0x7a: {  	_ =	shalt  }
0x7b: {  	_ =	shalt  }
0x7c: {  	_ =	shalt  }
0x7d: {  	_ =	shalt  }
0x7e: {  	_ =	shalt  }
0x7f: {  	_ =	shalt  }
0x80: {  	_ =	shalt  }
0x81: {  	_ =	shalt  }
0x82: {  	_ =	shalt  }
0x83: {  	_ =	shalt  }
0x84: {  	_ =	shalt  }
0x85: {  	_ =	shalt  }
0x86: {  	_ =	shalt  }
0x87: {  	_ =	shalt  }
.Lfunc_end0:
.L_simem_size_0:
called_computation.2_lowered:
.L_overlay_start_0:
0x88: {  	s2 =	sld [smem:$0x3FD9]  }
0x89: {  	s3 =	sld [smem:$0x3FFE];
	_ =	sdelay $0x1  }
0x8a: {  	s1 =	srdreg.scid  }
0x8b: {  	s0 =	sand.u32 $0x1, s1  }
0x8c: {  	s17 =	sshll.u32 s0, $0xA;
	s2 =	sadd.s32 s3, s2  }
0x8d: {  	s2 =	sadd.s32 s2, s17  }
0x8e: {  	[smem:$0x3FC0] =	sst s2  }
0x8f: {  	_ = 	snop  }
0x90: {  	s2 =	sld [smem:$0x3FD0];
	(tm) =	ssettm $0x1  }
0x91: {  	s18 =	sld [smem:$0x3FFB];
	_ =	sdelay $0x3  }
0x92: {  	_ =	strace s18  }
0x93: {  	s3 =	sld [smem:$0x3FFC];
	_ =	sdelay $0x3  }
0x94: {  	_ =	strace s3  }
0x95: {  	s3 =	sld [smem:$0x3FFD];
	_ =	sdelay $0x3  }
0x96: {  	_ =	strace s3  }
0x97: {  	_ =	strace $0x8FFFFFFF  }
0x98: {  	s19 =	sld [smem:$0x3FDB];
	_ =	sdelay $0x1  }
0x99: {  	s4 =	simm.s32 $_scs_section_size  }
0x9a: {  	s5 =	simm.s32 $_size__tile_overlayer_lowered;
	s6 =	simm.s32 $_tile_overlayer_lowered  }
0x9b: {  	s22 =	simm.s32 $0x1BFF;
	s21 =	sshll.u32 s6, $0x1;
	s3 =	sadd.s32 s4, s19  }
0x9c: {  	s7 =	simm.s32 $0x0;
	s20 =	sshll.u32 s5, $0x1;
	s5 =	sadd.s32 s21, s3  }
0x9d: {  	[timem:s7], [sflag:s22] =	dma.local [hbm:s5], s20  }
0x9e: {  	_ =	swait.ge [sflag:s22], s20  }
0x9f: {  	s4 =	ssub.s32 $0x0, s20;
	[sflag:s22] =	ssyncset.done $0x0  }
0xa0: {  	[sflag:s22] =	ssyncadd.s32 s4;
	_ =	sdelay $0x1  }
0xa1: {  	s23 =	simm.s32 $0x1B8B  }
0xa2: {  	_ =	swait.ge [sflag:s23], $0x1  }
0xa3: {  	[sflag:s23] =	ssyncset.done $0x0  }
0xa4: {  	s25 =	simm.s32 $0x1B8E;
	s24 =	sld [smem:$0x3FFE];
	[sflag:s23] =	ssyncadd.s32 $0xFFFFFFFF  }
0xa5: {  	s26 =	simm.s32 $execute0_lowered;
	[smem:$0x3FD2] =	sst s25  }
0xa6: {  	s5 =	sshll.u32 s26, $0x1;
	_ =	strace $0x8000004C;
	[dreg:$0x1] =	wrdreg $0xFFFFFFFF  }
0xa7: {  	s28 =	simm.s32 $_size_execute0_lowered;
	s3 =	sadd.s32 s3, s5;
	[dreg:$0x0] =	wrdreg $0x0  }
0xa8: {  	s5 =	sshll.u32 s28, $0x1;
	[dreg:$0x2] =	wrdreg s3  }
0xa9: {  	[dreg:$0x3] =	wrdreg s5  }
0xaa: {  	[dreg:$0x4] =	wrdreg $0xC0  }
0xab: {  	_ =	task [dreg:s7], $0x5FFFF  }
0xac: {  	[dreg:$0x1] =	wrdreg $0xFFFFFFFF  }
0xad: {  	[dreg:$0x0] =	wrdreg $0x60  }
0xae: {  	[dreg:$0x2] =	wrdreg s24  }
0xaf: {  	[dreg:$0x3] =	wrdreg s2  }
0xb0: {  	[dreg:$0x4] =	wrdreg $0x69000  }
0xb1: {  	[dreg:$0x5] =	wrdreg $0x9  }
0xb2: {  	_ =	task.clear_ibuf [dreg:s7], $0x6FFFF;
	_ =	strace $0x9000004C  }
0xb3: {  	s29 =	simm.s32 $0x9;
	_ =	strace $0x8000004E  }
0xb4: {  	_ =	swait.ge [sflag:s29], $0x1  }
0xb5: {  	[sflag:s29] =	ssyncadd.s32 $0xFFFFFFFF  }
0xb6: {  	_ =	strace $0x9000004E  }
0xb7: {  	_ =	sfence  }
0xb8: {  	s30 =	sld [smem:$0x0];
	_ =	sdelay $0x2  }
0xb9: {  	s31 =	sshll.u32 s1, $0xD;
	s1 =	sshrl.u32 s1, $0x2  }
0xba: {  	s3 =	sand.u32 $0x4000, s31;
	s1 =	sadd.s32 s1, s30  }
0xbb: {  	s0 =	sor.u32 s3, s0;
	s1 =	sshll.u32 s1, $0x11  }
0xbc: {  	s0 =	sor.u32 s1, s0  }
0xbd: {  	s0 =	sadd.s32 $0x8F2B, s0  }
0xbe: {  	[sflag:s0] =	ssyncadd.remote.s32 $0x1  }
0xbf: {  	_ =	sfence.sel $0xFFFF  }
0xc0: {  	[dreg:$0x0] =	wrdreg $0xFFFFFFFF;
	(pc) =	sbr.abs _section_cstart, $3  }
0xc1: {  	[dreg:$0x1] =	wrdreg $0xFFFFFFFF  }
0xc2: {  	_ =	task.clear_ibuf [dreg:s7], $0x2FFFF;
	_ =	strace $0x9FFFFFFF  }
0xc3: {  	(tm) =	ssettm $0x7FFFFFFF  }
tec
execute0_lowered:
.L_overlay_start_1:
0x0: {  	(tag) =	ssettag $0x1  }
0x1: {  	s1 =	rddreg [dreg:$0x0]  }
0x2: {  	s17 =	rddreg [dreg:$0x1]  }
0x3: {  	s3 =	srdreg.scid;
	s0 =	stileid.u32  }
0x4: {  	s2 =	rddreg [dreg:$0x2];
	s7 =	smul.u32 $0x50000, s0  }
0x5: {  	s28 =	simm.s32 $0x1;
	s5 =	sand.u32 $0x1, s3;
	s15 =	smul.u32 $0x14000, s0  }
0x6: {  	s29 =	simm.s32 $0x0;
	s3 =	simm.s32 $0x0;
	s6 =	smul.u32 $0x2710, s5  }
0x7: {  	[smem:$0x7FF] =	sst s3;
	s14 =	smul.u32 $0x140000, s5;
	s5 =	ssub.s32 $0x2, s5  }
0x8: {  	s4 =	smul.u32 $0x4E20, s0;
	_ =	strace $0x8000004D;
	s26 =	sshrl.u32 s5, $0x1  }
0x9: {  	s7 =	sshrl.u32 s7, $0x2;
	s13 =	sadd.s32 $0x4000, s15;
	s19 =	sadd.s32 $0x8000, s15  }
0xa: {  	s23 =	sadd.s32 $0x10000, s15;
	s6 =	sadd.s32 s6, s4;
	s4 =	sadd.s32 $0xBE00, s1  }
0xb: {  	s8 =	sadd.s32 s14, s15;
	s9 =	ssub.s32 s5, s26;
	s5 =	sadd.s32 s7, s2  }
0xc: {  	s11 =	sadd.s32 s14, s13;
	s20 =	sadd.s32 s14, s19;
	s22 =	sadd.s32 s13, s2  }
0xd: {  	s24 =	sadd.s32 s19, s2;
	s26 =	sadd.s32 s14, s23;
	s19 =	simm.s32 $0x2  }
0xe: {  	s18 =	sshrl.u32 s6, $0x3;
	s30 =	sshrl.u32 s8, $0x3;
	s7 =	smax.u32 s9, $0x1  }
0xf: {  	s8 =	sadd.s32 $0x4000, s5;
	s9 =	sadd.s32 $0x8000, s5;
	s10 =	sadd.s32 $0xC000, s5  }
0x10: {  	s12 =	sshrl.u32 s11, $0x3;
	s11 =	sadd.s32 $0x10000, s5;
	s0 =	sshrl.u32 s20, $0x3  }
0x11: {  	s6 =	sadd.s32 $0xC000, s15;
	s20 =	simm.s32 $0x80;
	s22 =	sshrl.u32 s22, $0x3  }
0x12: {  	s16 =	sadd.s32 s18, s1;
	s1 =	sadd.s32 $0x33000, s1;
	s21 =	sadd.s32 s14, s6  }
0x13: {  	s17 =	sadd.s32 s18, s17;
	s18 =	simm.s32 $0x2900;
	s31 =	sadd.s32 s1, s30  }
0x14: {  	s12 =	sadd.s32 s1, s12;
	s13 =	sadd.s32 s1, s0;
	s25 =	sshrl.u32 s21, $0x3  }
0x15: {  	s30 =	sshrl.u32 s26, $0x3;
	s16 =	sadd.s32 $0x2000, s16;
	s21 =	simm.s32 $0x50  }
0x16: {  	s26 =	simm.s32 $0x100;
	[dreg:$0x4] =	wrdreg s31;
	s14 =	sadd.s32 s1, s25  }
0x17: {  	s25 =	sadd.s32 s6, s2;
	s15 =	sadd.s32 s1, s30;
	s31 =	sadd.s32 s23, s2  }
0x18: {  	v0 =	vimm.f32 $0.0e+00;
	s23 =	sshrl.u32 s24, $0x3;
	s24 =	sshrl.u32 s25, $0x3;
	s25 =	sshrl.u32 s31, $0x3  }
.LBB2_1:
0x19: {  	s1 =	sand.u32 $0xFE00, s3  }
0x1a: {  	s31 =	sand.u32 $0x70, s3;
	s1 =	sshrl.u32 s1, $0x2  }
0x1b: {  	s30 =	simm.s32 $0x40;
	s1 =	sor.u32 s31, s1;
	s31 =	simm.s32 $0x0  }
.LBB2_2:
0x1c: {  	p0 =	sne.s32 s30, $0xFFC0  }
0x1d: {  	[tilespmem:s1+$0x2900] =	vst v0;
	s31 =	sadd.s32 $0x10, s31;
	s1 =	smov.u32 s30;
	s30 =	sadd.s32 $0x40, s30  }
.Ltmp0:
0x1e: {  	(pc) =	sbr.rel @p0 .LBB2_2-.Ltmp0, $4  }
0x1f: {  	_ = 	snop  }
0x20: {  	s1 =	sand.u32 $0xFE00, s1  }
0x21: {  	s0 =	sand.u32 $0x70, s31;
	s1 =	sshrl.u32 s1, $0x2  }
0x22: {  	s1 =	sor.u32 s0, s1  }
0x23: {  	[tilespmem:s1+$0x2900] =	vst v0  }
0x24: {  	[spmem:s5] =	stream.linear.scatter [tilespmem:s18], [sflag:$0x2], $0x4000, $0x38;
	[tilespmem:$0x1A900] =	vst v63  }
0x25: {  	_ =	swait.ge [sflag:s19], $0x4000  }
0x26: {  	[sflag:s19] =	ssyncset.done $0x0  }
0x27: {  	[sflag:s19] =	ssyncadd.s32 $0xFFFFC000  }
0x28: {  	[spmem:s8] =	stream.linear.scatter [tilespmem:s18], [sflag:$0x2], $0x4000, $0x38;
	[tilespmem:$0x1A900] =	vst v63  }
0x29: {  	_ =	swait.ge [sflag:s19], $0x4000  }
0x2a: {  	[sflag:s19] =	ssyncset.done $0x0  }
0x2b: {  	[sflag:s19] =	ssyncadd.s32 $0xFFFFC000  }
0x2c: {  	[spmem:s9] =	stream.linear.scatter [tilespmem:s18], [sflag:$0x2], $0x4000, $0x38;
	[tilespmem:$0x1A900] =	vst v63  }
0x2d: {  	_ =	swait.ge [sflag:s19], $0x4000  }
0x2e: {  	[sflag:s19] =	ssyncset.done $0x0  }
0x2f: {  	[sflag:s19] =	ssyncadd.s32 $0xFFFFC000  }
0x30: {  	[spmem:s10] =	stream.linear.scatter [tilespmem:s18], [sflag:$0x2], $0x4000, $0x38;
	[tilespmem:$0x1A900] =	vst v63  }
0x31: {  	_ =	swait.ge [sflag:s19], $0x4000  }
0x32: {  	[sflag:s19] =	ssyncset.done $0x0  }
0x33: {  	[sflag:s19] =	ssyncadd.s32 $0xFFFFC000  }
0x34: {  	[spmem:s11] =	stream.linear.scatter [tilespmem:s18], [sflag:$0x2], $0x4000, $0x38;
	[tilespmem:$0x1A900] =	vst v63  }
0x35: {  	_ =	swait.ge [sflag:s19], $0x4000  }
0x36: {  	[sflag:s19] =	ssyncset.done $0x0  }
0x37: {  	[sflag:s19] =	ssyncadd.s32 $0xFFFFC000  }
0x38: {  	s0 =	sadd.s32 $0x0, s17;
	[bflag:$0x0] =	sbarrier.arrive $0xFFFF  }
0x39: {  	[tilespmem:s3], [sflag:$0x2] =	stream.linear.gather [hbm4b:s0+s3], $0x50, $0x38;
	[tilespmem:$0x1A900] =	vst v63  }
0x3a: {  	_ =	swait.ge [sflag:s19], $0x50  }
0x3b: {  	[sflag:s19] =	ssyncset.done $0x0  }
0x3c: {  	s6 =	sadd.s32 $0x0, s16;
	[sflag:s19] =	ssyncadd.s32 $0xFFFFFFB0  }
0x3d: {  	[tilespmem:s20], [sflag:$0x2] =	stream.linear.gather [hbm4b:s6+s3], $0x50, $0x38;
	[tilespmem:$0x1A900] =	vst v63  }
0x3e: {  	_ =	swait.ge [sflag:s19], $0x50  }
0x3f: {  	[sflag:s19] =	ssyncset.done $0x0  }
0x40: {  	[sflag:s19] =	ssyncadd.s32 $0xFFFFFFB0  }
0x41: {  	[tilespmem:s26], [sflag:$0x1] =	stream.indirect.gather [hbm4b:s4+s21], $0x80, s3, s21, $0xb8;
	[tilespmem:$0x1A900] =	vst v63  }
0x42: {  	_ =	swait.ge [sflag:s28], $0x2800  }
0x43: {  	[sflag:s28] =	ssyncset.done $0x0  }
0x44: {  	[sflag:s28] =	ssyncadd.s32 $0xFFFFD800  }
0x45: {  	[spmem:s2] =	stream.indirect.scatter.add.f32 [tilespmem:s26], [sflag:$0x2], $0x80, s20, s21, $0xb8;
	[tilespmem:$0x1A900] =	vst v63  }
0x46: {  	_ =	swait.ge [sflag:s19], $0x2800  }
0x47: {  	s30 =	simm.s32 $0xA;
	s31 =	simm.s32 $0x14;
	[sflag:s19] =	ssyncset.done $0x0  }
.LBB2_4:
0x48: {  	s0 =	sadd.s32 s30, s17  }
0x49: {  	[sflag:s19] =	ssyncadd.s32 $0xFFFFD800;
	s1 =	smov.u32 s31;
	s6 =	sadd.s32 $0xA, s31  }
0x4a: {  	[tilespmem:s3], [sflag:$0x2] =	stream.linear.gather [hbm4b:s0+s3], $0x50, $0x38;
	[tilespmem:$0x1A900] =	vst v63  }
0x4b: {  	p0 =	sne.s32 s31, $0x4D8;
	_ =	swait.ge [sflag:s19], $0x50  }
0x4c: {  	[sflag:s19] =	ssyncset.done $0x0  }
0x4d: {  	s0 =	sadd.s32 s30, s16;
	s30 =	smov.u32 s1;
	[sflag:s19] =	ssyncadd.s32 $0xFFFFFFB0  }
0x4e: {  	[tilespmem:s20], [sflag:$0x2] =	stream.linear.gather [hbm4b:s0+s3], $0x50, $0x38;
	[tilespmem:$0x1A900] =	vst v63  }
0x4f: {  	_ =	swait.ge [sflag:s19], $0x50  }
0x50: {  	[sflag:s19] =	ssyncset.done $0x0  }
0x51: {  	[sflag:s19] =	ssyncadd.s32 $0xFFFFFFB0  }
0x52: {  	[tilespmem:s26], [sflag:$0x1] =	stream.indirect.gather [hbm4b:s4+s21], $0x80, s3, s21, $0xb8;
	[tilespmem:$0x1A900] =	vst v63  }
0x53: {  	_ =	swait.ge [sflag:s28], $0x2800  }
.Ltmp1:
0x54: {  	[sflag:s28] =	ssyncset.done $0x0;
	(pc) =	sbr.rel @p0 .LBB2_4-.Ltmp1, $4  }
0x55: {  	[sflag:s28] =	ssyncadd.s32 $0xFFFFD800  }
0x56: {  	[spmem:s2] =	stream.indirect.scatter.add.f32 [tilespmem:s26], [sflag:$0x2], $0x80, s20, s21, $0xb8;
	[tilespmem:$0x1A900] =	vst v63  }
0x57: {  	_ =	swait.ge [sflag:s19], $0x2800  }
0x58: {  	s31 =	smov.u32 s6;
	[sflag:s19] =	ssyncset.done $0x0  }
0x59: {  	s0 =	sadd.s32 s30, s17;
	[sflag:s19] =	ssyncadd.s32 $0xFFFFD800  }
0x5a: {  	[tilespmem:s3], [sflag:$0x2] =	stream.linear.gather [hbm4b:s0+s3], $0x50, $0x38;
	[tilespmem:$0x1A900] =	vst v63  }
0x5b: {  	_ =	swait.ge [sflag:s19], $0x50  }
0x5c: {  	[sflag:s19] =	ssyncset.done $0x0  }
0x5d: {  	s30 =	sadd.s32 s30, s16;
	[sflag:s19] =	ssyncadd.s32 $0xFFFFFFB0  }
0x5e: {  	[tilespmem:s20], [sflag:$0x2] =	stream.linear.gather [hbm4b:s30+s3], $0x50, $0x38;
	[tilespmem:$0x1A900] =	vst v63  }
0x5f: {  	_ =	swait.ge [sflag:s19], $0x50  }
0x60: {  	[sflag:s19] =	ssyncset.done $0x0  }
0x61: {  	[sflag:s19] =	ssyncadd.s32 $0xFFFFFFB0  }
0x62: {  	[tilespmem:s26], [sflag:$0x1] =	stream.indirect.gather [hbm4b:s4+s21], $0x80, s3, s21, $0xb8;
	[tilespmem:$0x1A900] =	vst v63  }
0x63: {  	_ =	swait.ge [sflag:s28], $0x2800  }
0x64: {  	[sflag:s28] =	ssyncset.done $0x0  }
0x65: {  	[sflag:s28] =	ssyncadd.s32 $0xFFFFD800  }
0x66: {  	[spmem:s2] =	stream.indirect.scatter.add.f32 [tilespmem:s26], [sflag:$0x2], $0x80, s20, s21, $0xb8;
	[tilespmem:$0x1A900] =	vst v63  }
0x67: {  	_ =	swait.ge [sflag:s19], $0x2800  }
0x68: {  	[sflag:s19] =	ssyncset.done $0x0  }
0x69: {  	s31 =	stileid.u32;
	[sflag:s19] =	ssyncadd.s32 $0xFFFFD800  }
0x6a: {  	s0 =	sshll.u32 s31, $0x6;
	[bflag:$0x0] =	sbarrier.arrive $0xFFFF  }
0x6b: {  	s1 =	sshrl.u32 s5, $0x3;
	s0 =	sor.u32 $0x1C02, s0;
	s6 =	rddreg [dreg:$0x4]  }
0x6c: {  	[hbm:s6], [sflag:s0] =	dma.local [spmem:s1], $0x800  }
0x6d: {  	_ =	swait.ge [sflag:s19], $0x800  }
0x6e: {  	[sflag:s19] =	ssyncset.done $0x0  }
0x6f: {  	[sflag:s19] =	ssyncadd.s32 $0xFFFFF800  }
0x70: {  	[hbm:s12], [sflag:s0] =	dma.local [spmem:s22], $0x800  }
0x71: {  	_ =	swait.ge [sflag:s19], $0x800  }
0x72: {  	[sflag:s19] =	ssyncset.done $0x0  }
0x73: {  	[sflag:s19] =	ssyncadd.s32 $0xFFFFF800  }
0x74: {  	[hbm:s13], [sflag:s0] =	dma.local [spmem:s23], $0x800  }
0x75: {  	_ =	swait.ge [sflag:s19], $0x800  }
0x76: {  	[sflag:s19] =	ssyncset.done $0x0  }
0x77: {  	[sflag:s19] =	ssyncadd.s32 $0xFFFFF800  }
0x78: {  	[hbm:s14], [sflag:s0] =	dma.local [spmem:s24], $0x800  }
0x79: {  	s29 =	sadd.s32 $0x1, s29;
	_ =	swait.ge [sflag:s19], $0x800  }
0x7a: {  	p0 =	sne.s32 s29, s7;
	[sflag:s19] =	ssyncset.done $0x0  }
.Ltmp2:
0x7b: {  	[sflag:s19] =	ssyncadd.s32 $0xFFFFF800;
	(pc) =	sbr.rel @p0 .LBB2_1-.Ltmp2, $4  }
0x7c: {  	[hbm:s15], [sflag:s0] =	dma.local [spmem:s25], $0x800  }
0x7d: {  	_ =	swait.ge [sflag:s19], $0x800  }
0x7e: {  	[sflag:s19] =	ssyncset.done $0x0  }
0x7f: {  	[sflag:s19] =	ssyncadd.s32 $0xFFFFF800  }
0x80: {  	_ =	sfence.sel $0x180000  }
0x81: {  	[bflag:$0x0] =	sbarrier.arrive $0xFFFF  }
0x82: {  	_ =	strace $0x9000004D  }
0x83: {  	s0 =	stileid.u32;
	[bflag:$0x2] =	sbarrier.arrive $0xFFFF  }
0x84: {  	p0 =	sne.s32 s0, $0x0;
	s0 =	rddreg [dreg:$0x3]  }
0x85: {  	s0 =	sadd.s32 @!p0 $0x100000, s0  }
0x86: {  	[sflag:s0] =	ssyncadd.tile.s32 @!p0 $0x1;
	_ =	shalt  }
.Lfunc_end2:
_tile_overlayer_lowered:
.L_overlay_start_2:
0x87: {  	(tag) =	ssettag $0x2  }
0x88: {  	s0 =	rddreg [dreg:$0x0];
	s2 =	stileid.u32  }
0x89: {  	s1 =	rddreg [dreg:$0x1];
	p0 =	sne.s32 s2, $0x0  }
0x8a: {  	s3 =	rddreg [dreg:$0x2];
	[bflag:$0x3] =	sbarrier.arrive $0xFFFF;
	s2 =	simm.s32 @!p0 $0x1C02  }
0x8b: {  	[timem:s3], [sflag:s2] =	dma.local @!p0 [hbm:s0], s1  }
0x8c: {  	s0 =	simm.s32 @!p0 $0x2  }
0x8d: {  	_ =	swait.ge @!p0 [sflag:s0], s1  }
0x8e: {  	s1 =	ssub.s32 @!p0 $0x0, s1;
	[sflag:s0] =	ssyncset.done @!p0 $0x0  }
0x8f: {  	[sflag:s0] =	ssyncadd.s32 @!p0 s1  }
0x90: {  	[bflag:$0x3] =	sbarrier.arrive $0xFFFF  }
0x91: {  	_ =	shalt  }

// kernel: kernel.8.cloned.1.call-start
scs
__scs_entry_jumppad:
0x0: {  	(pc) =	sbr.rel $0x88, $3  }
0x1: {  	(tag) =	ssettag $0x0;
	lr =	simm.s32 $0x1  }
0x2: {  	[smem:$0x3F99] =	sst lr;
	_ =	strace $0xD0000000  }
0x3: {  	_ = 	snop  }
0x4: {  	_ = 	snop  }
0x5: {  	_ = 	snop  }
0x6: {  	_ = 	snop  }
0x7: {  	_ = 	snop  }
__scs_overlays_trampoline_lowered:
0x8: {  	[smem:$0x3FA8] =	sst s0  }
0x9: {  	[smem:$0x3FA9] =	sst s1  }
0xa: {  	[smem:$0x3FAA] =	sst s2  }
0xb: {  	[smem:$0x3FAB] =	sst s3  }
0xc: {  	[smem:$0x3FAC] =	sst s4  }
0xd: {  	[smem:$0x3FAD] =	sst s5  }
0xe: {  	[smem:$0x3FAE] =	sst s6  }
0xf: {  	[smem:$0x3FAF] =	sst s7  }
0x10: {  	[smem:$0x3FB0] =	sst s8  }
0x11: {  	[smem:$0x3FB1] =	sst s9;
	s0 =	simm.s32 @!p0 $0x0  }
0x12: {  	s1 =	sld [smem:$0x3F97];
	s0 =	simm.s32 @p0 $0x1  }
0x13: {  	[smem:$0x3FB2] =	sst s0;
	s0 =	simm.s32 @!p1 $0x0  }
0x14: {  	s2 =	sld [smem:$0x3F96];
	s0 =	simm.s32 @p1 $0x1  }
0x15: {  	[smem:$0x3FB3] =	sst s0;
	s0 =	simm.s32 @!p2 $0x0  }
0x16: {  	s3 =	sld [smem:$0x3FDB];
	s0 =	simm.s32 @p2 $0x1  }
0x17: {  	s4 =	simm.s32 $0x1BF5;
	[smem:$0x3FB5] =	sst s0  }
0x18: {  	s0 =	sld [smem:$0x3F98];
	_ =	swait.ge [sflag:s4], $0x0  }
0x19: {  	s7 =	sld [smem:$0x3F99]  }
0x1a: {  	s8 =	sadd.s32 $0xFFFFE003, lr  }
0x1b: {  	s9 =	sadd.s32 $0xFFFFFEF7, lr;
	s5 =	simm.s32 $0xFFFFFFFF;
	p2 =	slt.u32 s8, $0xFFFFF086  }
0x1c: {  	p1 =	slt.u32 s9, $0xF7A;
	s5 =	simm.s32 @!p2 $0x0  }
0x1d: {  	s5 =	simm.s32 @p1 $0x1;
	p0 =	seq.s32 s7, s2  }
0x1e: {  	s7 =	smul.u32 @!p0 $0xF7A, s2;
	p2 =	seq.s32 @!p0 s5, $0x0  }
0x1f: {  	s9 =	smul.u32 $0xF7A, s1;
	s8 =	simm.s32 @!p0 $0x1BF5;
	p2 =	por !p2, p0  }
0x20: {  	[sflag:s8] =	ssyncset.s32 @!p0 $0xFFFFF086;
	s6 =	sadd.s32 @!p0 s3, s7;
	s7 =	simm.s32 @!p0 $0x108  }
0x21: {  	s3 =	sadd.s32 s3, s9;
	s6 =	sadd.s32 @!p0 $0x88, s6;
	s7 =	simm.s32 @p2 $0x1082  }
0x22: {  	[simem:s7], [sflag:s8] =	dma.local @!p0 [hbm:s6], $0xF7A  }
0x23: {  	s9 =	sor.u32 $0xD0000000, s2;
	s6 =	simm.s32 $0x108;
	_ =	swait.ge @!p0 [sflag:s8], $0x0  }
0x24: {  	s3 =	sadd.s32 $0x88, s3;
	s6 =	simm.s32 @!p1 $0x1082;
	[sflag:s4] =	ssyncset.s32 $0xFFFFF086  }
0x25: {  	[simem:s6], [sflag:s4] =	dma.local [hbm:s3], $0xF7A  }
0x26: {  	[smem:$0x3F99] =	sst s1;
	(tag) =	ssettag s2;
	_ =	strace s9  }
0x27: {  	s1 =	sld [smem:$0x3FA9]  }
0x28: {  	s2 =	sld [smem:$0x3FAA]  }
0x29: {  	s4 =	sld [smem:$0x3FAC]  }
0x2a: {  	p0 =	seq.s32 s5, $0x0;
	s5 =	sld [smem:$0x3FAD]  }
0x2b: {  	s6 =	sld [smem:$0x3FAE]  }
0x2c: {  	s7 =	sld [smem:$0x3FAF]  }
0x2d: {  	s3 =	simm.s32 $0x108;
	s8 =	sld [smem:$0x3FB0]  }
0x2e: {  	s3 =	simm.s32 @!p0 $0x1082;
	s9 =	sld [smem:$0x3FB1]  }
0x2f: {  	lr =	sadd.s32 s0, s3;
	s0 =	sld [smem:$0x3FA8]  }
0x30: {  	s3 =	sld [smem:$0x3FAB]  }
0x31: {  	[smem:$0x3FB4] =	sst s10  }
0x32: {  	s10 =	sld [smem:$0x3FB2];
	_ =	sdelay $0x3  }
0x33: {  	p0 =	seq.s32 s10, $0x1;
	s10 =	sld [smem:$0x3FB4];
	_ =	sdelay $0x3  }
0x34: {  	[smem:$0x3FB4] =	sst s10  }
0x35: {  	s10 =	sld [smem:$0x3FB3];
	_ =	sdelay $0x3  }
0x36: {  	p1 =	seq.s32 s10, $0x1;
	s10 =	sld [smem:$0x3FB4];
	_ =	sdelay $0x3  }
0x37: {  	[smem:$0x3FB4] =	sst s10  }
0x38: {  	s10 =	sld [smem:$0x3FB5]  }
0x39: {  	_ = 	snop;
	(pc) =	sbr.ind lr, $3  }
0x3a: {  	_ = 	snop  }
0x3b: {  	_ = 	snop  }
0x3c: {  	p2 =	seq.s32 s10, $0x1;
	s10 =	sld [smem:$0x3FB4]  }
0x3d: {  	_ =	shalt  }
0x3e: {  	_ =	shalt  }
0x3f: {  	_ =	shalt  }
0x40: {  	_ =	shalt  }
0x41: {  	_ =	shalt  }
0x42: {  	_ =	shalt  }
0x43: {  	_ =	shalt  }
0x44: {  	_ =	shalt  }
0x45: {  	_ =	shalt  }
0x46: {  	_ =	shalt  }
0x47: {  	_ =	shalt  }
0x48: {  	_ =	shalt  }
0x49: {  	_ =	shalt  }
0x4a: {  	_ =	shalt  }
0x4b: {  	_ =	shalt  }
0x4c: {  	_ =	shalt  }
0x4d: {  	_ =	shalt  }
0x4e: {  	_ =	shalt  }
0x4f: {  	_ =	shalt  }
0x50: {  	_ =	shalt  }
0x51: {  	_ =	shalt  }
0x52: {  	_ =	shalt  }
0x53: {  	_ =	shalt  }
0x54: {  	_ =	shalt  }
0x55: {  	_ =	shalt  }
0x56: {  	_ =	shalt  }
0x57: {  	_ =	shalt  }
0x58: {  	_ =	shalt  }
0x59: {  	_ =	shalt  }
0x5a: {  	_ =	shalt  }
0x5b: {  	_ =	shalt  }
0x5c: {  	_ =	shalt  }
0x5d: {  	_ =	shalt  }
0x5e: {  	_ =	shalt  }
0x5f: {  	_ =	shalt  }
0x60: {  	_ =	shalt  }
0x61: {  	_ =	shalt  }
0x62: {  	_ =	shalt  }
0x63: {  	_ =	shalt  }
0x64: {  	_ =	shalt  }
0x65: {  	_ =	shalt  }
0x66: {  	_ =	shalt  }
0x67: {  	_ =	shalt  }
0x68: {  	_ =	shalt  }
0x69: {  	_ =	shalt  }
0x6a: {  	_ =	shalt  }
0x6b: {  	_ =	shalt  }
0x6c: {  	_ =	shalt  }
0x6d: {  	_ =	shalt  }
0x6e: {  	_ =	shalt  }
0x6f: {  	_ =	shalt  }
0x70: {  	_ =	shalt  }
0x71: {  	_ =	shalt  }
0x72: {  	_ =	shalt  }
0x73: {  	_ =	shalt  }
0x74: {  	_ =	shalt  }
0x75: {  	_ =	shalt  }
0x76: {  	_ =	shalt  }
0x77: {  	_ =	shalt  }
0x78: {  	_ =	shalt  }
0x79: {  	_ =	shalt  }
0x7a: {  	_ =	shalt  }
0x7b: {  	_ =	shalt  }
0x7c: {  	_ =	shalt  }
0x7d: {  	_ =	shalt  }
0x7e: {  	_ =	shalt  }
0x7f: {  	_ =	shalt  }
0x80: {  	_ =	shalt  }
0x81: {  	_ =	shalt  }
0x82: {  	_ =	shalt  }
0x83: {  	_ =	shalt  }
0x84: {  	_ =	shalt  }
0x85: {  	_ =	shalt  }
0x86: {  	_ =	shalt  }
0x87: {  	_ =	shalt  }
.Lfunc_end0:
.L_simem_size_0:
called_computation_lowered:
.L_overlay_start_0:
0x88: {  	s2 =	sld [smem:$0x3FD9]  }
0x89: {  	s3 =	sld [smem:$0x3FFE];
	_ =	sdelay $0x1  }
0x8a: {  	s1 =	srdreg.scid  }
0x8b: {  	s0 =	sand.u32 $0x1, s1  }
0x8c: {  	s16 =	sshll.u32 s0, $0xA;
	s2 =	sadd.s32 s3, s2  }
0x8d: {  	s2 =	sadd.s32 s2, s16  }
0x8e: {  	[smem:$0x3FC0] =	sst s2  }
0x8f: {  	_ = 	snop  }
0x90: {  	(tm) =	ssettm $0x1  }
0x91: {  	s17 =	sld [smem:$0x3FFB];
	_ =	sdelay $0x3  }
0x92: {  	_ =	strace s17  }
0x93: {  	s2 =	sld [smem:$0x3FFC];
	_ =	sdelay $0x3  }
0x94: {  	_ =	strace s2  }
0x95: {  	s2 =	sld [smem:$0x3FFD];
	_ =	sdelay $0x3  }
0x96: {  	_ =	strace s2  }
0x97: {  	_ =	strace $0x8FFFFFFF  }
0x98: {  	s18 =	sld [smem:$0x3FDB];
	_ =	sdelay $0x1  }
0x99: {  	s19 =	simm.s32 $_scs_section_size  }
0x9a: {  	s4 =	simm.s32 $_size__tile_overlayer_lowered;
	s5 =	simm.s32 $_tile_overlayer_lowered  }
0x9b: {  	s22 =	simm.s32 $0x1BFF;
	s21 =	sshll.u32 s5, $0x1;
	s2 =	sadd.s32 s19, s18  }
0x9c: {  	s6 =	simm.s32 $0x0;
	s20 =	sshll.u32 s4, $0x1;
	s4 =	sadd.s32 s21, s2  }
0x9d: {  	[timem:s6], [sflag:s22] =	dma.local [hbm:s4], s20  }
0x9e: {  	_ =	swait.ge [sflag:s22], s20  }
0x9f: {  	s3 =	ssub.s32 $0x0, s20;
	[sflag:s22] =	ssyncset.done $0x0  }
0xa0: {  	[sflag:s22] =	ssyncadd.s32 s3;
	_ =	sdelay $0x1  }
0xa1: {  	s23 =	simm.s32 $0x1B8B  }
0xa2: {  	_ =	swait.ge [sflag:s23], $0x1  }
0xa3: {  	[sflag:s23] =	ssyncset.done $0x0  }
0xa4: {  	s25 =	simm.s32 $0x1B8E;
	s24 =	sld [smem:$0x3FFE];
	[sflag:s23] =	ssyncadd.s32 $0xFFFFFFFF  }
0xa5: {  	s26 =	simm.s32 $execute0_lowered;
	[smem:$0x3FD2] =	sst s25  }
0xa6: {  	s4 =	sshll.u32 s26, $0x1;
	_ =	strace $0x80000046;
	[dreg:$0x1] =	wrdreg $0xFFFFFFFF  }
0xa7: {  	s28 =	simm.s32 $_size_execute0_lowered;
	s2 =	sadd.s32 s2, s4;
	[dreg:$0x0] =	wrdreg $0x0  }
0xa8: {  	s4 =	sshll.u32 s28, $0x1;
	[dreg:$0x2] =	wrdreg s2  }
0xa9: {  	[dreg:$0x3] =	wrdreg s4  }
0xaa: {  	[dreg:$0x4] =	wrdreg $0xC0  }
0xab: {  	_ =	task [dreg:s6], $0x5FFFF  }
0xac: {  	[dreg:$0x1] =	wrdreg $0xFFFFFFFF  }
0xad: {  	[dreg:$0x0] =	wrdreg $0x60  }
0xae: {  	[dreg:$0x2] =	wrdreg s24  }
0xaf: {  	[dreg:$0x3] =	wrdreg $0x3800  }
0xb0: {  	[dreg:$0x4] =	wrdreg $0x9  }
0xb1: {  	_ =	task.clear_ibuf [dreg:s6], $0x5FFFF;
	_ =	strace $0x90000046  }
0xb2: {  	s29 =	simm.s32 $0x9;
	_ =	strace $0x80000048  }
0xb3: {  	_ =	swait.ge [sflag:s29], $0x1  }
0xb4: {  	[sflag:s29] =	ssyncadd.s32 $0xFFFFFFFF  }
0xb5: {  	_ =	strace $0x90000048  }
0xb6: {  	_ =	sfence  }
0xb7: {  	s30 =	sld [smem:$0x0];
	_ =	sdelay $0x2  }
0xb8: {  	s31 =	sshll.u32 s1, $0xD;
	s1 =	sshrl.u32 s1, $0x2  }
0xb9: {  	s3 =	sand.u32 $0x4000, s31;
	s1 =	sadd.s32 s1, s30  }
0xba: {  	s0 =	sor.u32 s3, s0;
	s1 =	sshll.u32 s1, $0x11  }
0xbb: {  	s0 =	sor.u32 s1, s0  }
0xbc: {  	s0 =	sadd.s32 $0x8F2B, s0  }
0xbd: {  	[sflag:s0] =	ssyncadd.remote.s32 $0x1  }
0xbe: {  	_ =	sfence.sel $0xFFFF  }
0xbf: {  	[dreg:$0x0] =	wrdreg $0xFFFFFFFF;
	(pc) =	sbr.abs _section_cstart, $3  }
0xc0: {  	[dreg:$0x1] =	wrdreg $0xFFFFFFFF  }
0xc1: {  	_ =	task.clear_ibuf [dreg:s6], $0x2FFFF;
	_ =	strace $0x9FFFFFFF  }
0xc2: {  	(tm) =	ssettm $0x7FFFFFFF  }
0xc3: {  	_ =	shalt  }
tec
execute0_lowered:
.L_overlay_start_1:
0x0: {  	(tag) =	ssettag $0x1  }
0x1: {  	s4 =	rddreg [dreg:$0x0];
	s1 =	srdreg.scid  }
0x2: {  	s0 =	stileid.u32;
	s2 =	rddreg [dreg:$0x1];
	s3 =	simm.s32 $0x0  }
0x3: {  	s10 =	simm.s32 $0x50;
	s11 =	simm.s32 $0x80;
	s14 =	simm.s32 $0x20  }
0x4: {  	s15 =	simm.s32 $0x10;
	s16 =	simm.s32 $0x0;
	s6 =	smul.u32 $0x4E20, s0  }
0x5: {  	s5 =	sand.u32 $0x1, s1;
	s1 =	rddreg [dreg:$0x2];
	s8 =	smul.u32 $0x500, s0  }
0x6: {  	[smem:$0x7FF] =	sst s3;
	s26 =	smul.u32 $0xA00, s0;
	s12 =	sshll.u32 s0, $0x6  }
0x7: {  	s7 =	smul.u32 $0x2710, s5;
	s25 =	sshll.u32 s5, $0x7;
	s5 =	ssub.s32 $0x2, s5  }
0x8: {  	_ =	strace $0x80000047;
	s12 =	sor.u32 $0x1C01, s12;
	s29 =	sshrl.u32 s5, $0x1  }
0x9: {  	s30 =	sshrl.u32 s26, $0x2;
	s6 =	sadd.s32 s7, s6;
	s7 =	sor.u32 s25, s8  }
0xa: {  	s31 =	ssub.s32 s5, s29;
	s6 =	sshrl.u32 s6, $0x3;
	s28 =	sshrl.u32 s7, $0x3  }
0xb: {  	s8 =	simm.s32 $0x100;
	s9 =	sadd.s32 s6, s4;
	s6 =	sadd.s32 s28, s4  }
0xc: {  	s4 =	sadd.s32 s30, s2;
	s5 =	sadd.s32 $0xBE00, s6;
	s6 =	smax.u32 s31, $0x1  }
0xd: {  	v0 =	vimm.f32 $0.0e+00;
	v1 =	vimm.f32 $1.000000000e+00;
	s7 =	sadd.s32 $0x2000, s9;
	s9 =	simm.s32 $0x1;
	s13 =	sshrl.u32 s4, $0x3  }
.LBB2_1:
0xe: {  	[tilespmem:$0x100] =	vst v0  }
0xf: {  	[tilespmem:$0x110] =	vst v0  }
0x10: {  	[tilespmem:$0x120] =	vst v0  }
0x11: {  	[tilespmem:$0x130] =	vst v0  }
0x12: {  	[tilespmem:$0x140] =	vst v0  }
0x13: {  	[tilespmem:$0x150] =	vst v0  }
0x14: {  	[tilespmem:$0x160] =	vst v0  }
0x15: {  	[tilespmem:$0x170] =	vst v0  }
0x16: {  	[tilespmem:$0x180] =	vst v0  }
0x17: {  	[tilespmem:$0x190] =	vst v0  }
0x18: {  	[tilespmem:$0x1A0] =	vst v0  }
0x19: {  	[tilespmem:$0x1B0] =	vst v0  }
0x1a: {  	[tilespmem:$0x1C0] =	vst v0  }
0x1b: {  	[tilespmem:$0x1D0] =	vst v0  }
0x1c: {  	[tilespmem:$0x1E0] =	vst v0  }
0x1d: {  	[tilespmem:$0x1F0] =	vst v0  }
0x1e: {  	[tilespmem:$0x200] =	vst v0  }
0x1f: {  	[tilespmem:$0x210] =	vst v0  }
0x20: {  	[tilespmem:$0x220] =	vst v0  }
0x21: {  	[tilespmem:$0x230] =	vst v0  }
0x22: {  	[tilespmem:$0x240] =	vst v0  }
0x23: {  	[tilespmem:$0x250] =	vst v0  }
0x24: {  	[tilespmem:$0x260] =	vst v0  }
0x25: {  	[tilespmem:$0x270] =	vst v0  }
0x26: {  	[tilespmem:$0x280] =	vst v0  }
0x27: {  	[tilespmem:$0x290] =	vst v0  }
0x28: {  	[tilespmem:$0x2A0] =	vst v0  }
0x29: {  	[tilespmem:$0x2B0] =	vst v0  }
0x2a: {  	[tilespmem:$0x2C0] =	vst v0  }
0x2b: {  	[tilespmem:$0x2D0] =	vst v0  }
0x2c: {  	[tilespmem:$0x2E0] =	vst v0  }
0x2d: {  	[tilespmem:$0x2F0] =	vst v0  }
0x2e: {  	[tilespmem:$0x300] =	vst v0  }
0x2f: {  	[tilespmem:$0x310] =	vst v0  }
0x30: {  	[tilespmem:$0x320] =	vst v0  }
0x31: {  	[tilespmem:$0x330] =	vst v0  }
0x32: {  	[tilespmem:$0x340] =	vst v0  }
0x33: {  	[tilespmem:$0x350] =	vst v0  }
0x34: {  	[tilespmem:$0x360] =	vst v0  }
0x35: {  	[tilespmem:$0x370] =	vst v0  }
0x36: {  	[tilespmem:$0x80] =	vst v1  }
0x37: {  	[tilespmem:$0x90] =	vst v1  }
0x38: {  	[tilespmem:$0xA0] =	vst v1  }
0x39: {  	[tilespmem:$0xB0] =	vst v1  }
0x3a: {  	[tilespmem:$0xC0] =	vst v1  }
0x3b: {  	[spmem:s4] =	stream.linear.scatter [tilespmem:s8], [sflag:$0x1], $0x280, $0x38;
	[tilespmem:$0x600] =	vst v63  }
0x3c: {  	_ =	swait.ge [sflag:s9], $0x280  }
0x3d: {  	[sflag:s9] =	ssyncset.done $0x0  }
0x3e: {  	[sflag:s9] =	ssyncadd.s32 $0xFFFFFD80  }
0x3f: {  	s17 =	sadd.s32 $0x0, s7;
	[bflag:$0x0] =	sbarrier.arrive $0xFFFF  }
0x40: {  	[tilespmem:s3], [sflag:$0x1] =	stream.linear.gather [hbm4b:s17+s3], $0x50, $0x38;
	[tilespmem:$0x600] =	vst v63  }
0x41: {  	_ =	swait.ge [sflag:s9], $0x50  }
0x42: {  	[sflag:s9] =	ssyncset.done $0x0  }
0x43: {  	[sflag:s9] =	ssyncadd.s32 $0xFFFFFFB0  }
0x44: {  	[spmem:s2] =	stream.indirect.scatter.add.f32 [tilespmem:s11], [sflag:$0x1], $0x1, s3, s10, $0xb8;
	[tilespmem:$0x600] =	vst v63  }
0x45: {  	_ =	swait.ge [sflag:s9], $0x50  }
0x46: {  	s18 =	simm.s32 $0x14;
	s17 =	simm.s32 $0xA;
	[sflag:s9] =	ssyncset.done $0x0  }
.LBB2_2:
0x47: {  	s19 =	sadd.s32 s17, s7  }
0x48: {  	[sflag:s9] =	ssyncadd.s32 $0xFFFFFFB0;
	s17 =	smov.u32 s18;
	s20 =	sadd.s32 $0xA, s18  }
0x49: {  	[tilespmem:s3], [sflag:$0x1] =	stream.linear.gather [hbm4b:s19+s3], $0x50, $0x38;
	[tilespmem:$0x600] =	vst v63  }
0x4a: {  	p0 =	sne.s32 s18, $0x4D8;
	_ =	swait.ge [sflag:s9], $0x50  }
.Ltmp0:
0x4b: {  	[sflag:s9] =	ssyncset.done $0x0;
	(pc) =	sbr.rel @p0 .LBB2_2-.Ltmp0, $4  }
0x4c: {  	[sflag:s9] =	ssyncadd.s32 $0xFFFFFFB0  }
0x4d: {  	[spmem:s2] =	stream.indirect.scatter.add.f32 [tilespmem:s11], [sflag:$0x1], $0x1, s3, s10, $0xb8;
	[tilespmem:$0x600] =	vst v63  }
0x4e: {  	_ =	swait.ge [sflag:s9], $0x50  }
0x4f: {  	s18 =	smov.u32 s20;
	[sflag:s9] =	ssyncset.done $0x0  }
0x50: {  	s17 =	sadd.s32 s17, s7;
	[sflag:s9] =	ssyncadd.s32 $0xFFFFFFB0  }
0x51: {  	[tilespmem:s3], [sflag:$0x1] =	stream.linear.gather [hbm4b:s17+s3], $0x50, $0x38;
	[tilespmem:$0x600] =	vst v63  }
0x52: {  	_ =	swait.ge [sflag:s9], $0x50  }
0x53: {  	[sflag:s9] =	ssyncset.done $0x0  }
0x54: {  	[sflag:s9] =	ssyncadd.s32 $0xFFFFFFB0  }
0x55: {  	[spmem:s2] =	stream.indirect.scatter.add.f32 [tilespmem:s11], [sflag:$0x1], $0x1, s3, s10, $0xb8;
	[tilespmem:$0x600] =	vst v63  }
0x56: {  	_ =	swait.ge [sflag:s9], $0x50  }
0x57: {  	s16 =	sadd.s32 $0x1, s16;
	[sflag:s9] =	ssyncset.done $0x0  }
0x58: {  	p0 =	sne.s32 s16, s6;
	[sflag:s9] =	ssyncadd.s32 $0xFFFFFFB0  }
.Ltmp1:
0x59: {  	[bflag:$0x0] =	sbarrier.arrive $0xFFFF;
	(pc) =	sbr.rel @p0 .LBB2_1-.Ltmp1, $4  }
0x5a: {  	[hbm:s5@s14], [sflag:s12] =	dma.strided [spmem:s13@s15], $0x50, s9, $0x10   }
0x5b: {  	_ =	swait.ge [sflag:s9], $0x50  }
0x5c: {  	[sflag:s9] =	ssyncset.done $0x0  }
0x5d: {  	[sflag:s9] =	ssyncadd.s32 $0xFFFFFFB0  }
0x5e: {  	_ =	sfence.sel $0x180000  }
0x5f: {  	[bflag:$0x0] =	sbarrier.arrive $0xFFFF  }
0x60: {  	p0 =	sne.s32 s0, $0x0;
	_ =	strace $0x90000047  }
0x61: {  	s0 =	sadd.s32 @!p0 $0x100000, s1;
	[bflag:$0x2] =	sbarrier.arrive $0xFFFF  }
0x62: {  	[sflag:s0] =	ssyncadd.tile.s32 @!p0 $0x1;
	_ =	shalt  }
.Lfunc_end2:
_tile_overlayer_lowered:
.L_overlay_start_2:
0x63: {  	(tag) =	ssettag $0x2  }
0x64: {  	s0 =	rddreg [dreg:$0x0];
	s2 =	stileid.u32  }
0x65: {  	s1 =	rddreg [dreg:$0x1];
	p0 =	sne.s32 s2, $0x0  }
0x66: {  	s3 =	rddreg [dreg:$0x2];
	[bflag:$0x3] =	sbarrier.arrive $0xFFFF;
	s2 =	simm.s32 @!p0 $0x1C01  }
0x67: {  	[timem:s3], [sflag:s2] =	dma.local @!p0 [hbm:s0], s1  }
0x68: {  	s0 =	simm.s32 @!p0 $0x1  }
0x69: {  	_ =	swait.ge @!p0 [sflag:s0], s1  }
0x6a: {  	s1 =	ssub.s32 @!p0 $0x0, s1;
	[sflag:s0] =	ssyncset.done @!p0 $0x0  }
0x6b: {  	[sflag:s0] =	ssyncadd.s32 @!p0 s1  }
0x6c: {  	[bflag:$0x3] =	sbarrier.arrive $0xFFFF  }
0x6d: {  	_ =	shalt  }

</sc_bundles>
